<compile_context>
chip_gen: v7x
topology: tpu7x:2x2x1
jax: 0.10.2.dev20260603
libtpu: 0.0.44.dev20260713+nightly
codegen_flags: <defaults>
</compile_context>

<pallas_src>
import functools

import jax
import jax.numpy as jnp
from jax import lax
from jax.experimental import pallas as pl
from jax.experimental.pallas import tpu as pltpu
from jax.experimental.pallas import tpu_sc as plsc

NC = 2
NS = 16
NW = NC * NS

N_NODES = 10000
N_EDGES = 320000
D = 128

EPW = N_EDGES // NW
CHUNK = 160
HALF = CHUNK // 2
NCH = 64
EPW_T = NCH * CHUNK
NCH_LAST = 16
NPT = 640
NPT_STEP = 624


def _deg_body(col_hbm, out_hbm, col_v, part_v):
    cid = lax.axis_index("c")
    sid = lax.axis_index("s")
    wid = cid * NS + sid
    pltpu.sync_copy(col_hbm.at[pl.ds(wid * EPW, EPW)], col_v)

    def zero(i, _):
        part_v[pl.ds(i * 16, 16)] = jnp.zeros((16,), jnp.int32)
        return _

    lax.fori_loop(0, N_NODES // 16, zero, None)

    ones = jnp.ones((16,), jnp.int32)

    def count(i, _):
        idx = col_v[pl.ds(i * 16, 16)]
        plsc.addupdate_scatter(part_v, [idx], ones)
        return _

    lax.fori_loop(0, EPW // 16, count, None)
    pltpu.sync_copy(part_v, out_hbm.at[pl.ds(wid * N_NODES, N_NODES)])


def _deg_partials(col):
    mesh = plsc.VectorSubcoreMesh(core_axis_name="c", subcore_axis_name="s")
    return pl.kernel(
        _deg_body,
        out_type=jax.ShapeDtypeStruct((NW * N_NODES,), jnp.int32),
        mesh=mesh,
        scratch_types=[
            pltpu.VMEM((EPW,), jnp.int32),
            pltpu.VMEM((N_NODES,), jnp.int32),
        ],
        compiler_params=pltpu.CompilerParams(needs_layout_passes=False),
    )(col)


def _scale_body(degp_ref, x_ref, xs_ref):
    deg = jnp.sum(degp_ref[...], axis=1, keepdims=True)
    degf = deg.astype(jnp.float32)
    s = jnp.where(deg > 0, lax.rsqrt(degf), 0.0)
    xs_ref[...] = x_ref[...] * s


def _scale_x(degp_t, x, blk=2000):
    grid = (N_NODES // blk,)
    return pl.pallas_call(
        _scale_body,
        grid=grid,
        in_specs=[
            pl.BlockSpec((blk, NW), lambda i: (i, 0)),
            pl.BlockSpec((blk, D), lambda i: (i, 0)),
        ],
        out_specs=pl.BlockSpec((blk, D), lambda i: (i, 0)),
        out_shape=jax.ShapeDtypeStruct((N_NODES, D), jnp.float32),
    )(degp_t, x)


def _edge_body(xs_hbm, row_hbm, col_hbm, zeros_hbm, out_hbm,
               ridx, cidx0, cidx1, isems, gbufs, gsems, ssems, acc):
    cid = lax.axis_index("c")
    sid = lax.axis_index("s")
    wid = cid * NS + sid
    ebase = wid * EPW_T
    ngroups = jnp.where(wid == NW - 1, NCH_LAST // 4, NCH // 4)

    def fetch_idx(j, s):
        off = ebase + j * CHUNK
        pltpu.async_copy(row_hbm.at[pl.ds(off, CHUNK)], ridx[s], isems[s])
        pltpu.async_copy(col_hbm.at[pl.ds(off, HALF)], cidx0[s], isems[s])
        pltpu.async_copy(col_hbm.at[pl.ds(off + HALF, HALF)], cidx1[s],
                         isems[s])

    def wait_idx(j, s):
        off = ebase + j * CHUNK
        pltpu.make_async_copy(row_hbm.at[pl.ds(off, CHUNK)], ridx[s],
                              isems[s]).wait()
        pltpu.make_async_copy(col_hbm.at[pl.ds(off, HALF)], cidx0[s],
                              isems[s]).wait()
        pltpu.make_async_copy(col_hbm.at[pl.ds(off + HALF, HALF)], cidx1[s],
                              isems[s]).wait()

    def fire_scatter(s, g):
        pltpu.async_copy(gbufs[g].at[pl.ds(0, HALF)], acc.at[cidx0[s]],
                         ssems[g], add=True)
        pltpu.async_copy(gbufs[g].at[pl.ds(HALF, HALF)], acc.at[cidx1[s]],
                         ssems[g], add=True)

    def wait_scatter(s, g):
        pltpu.make_async_copy(gbufs[g].at[pl.ds(0, HALF)], acc.at[cidx0[s]],
                              ssems[g]).wait()
        pltpu.make_async_copy(gbufs[g].at[pl.ds(HALF, HALF)],
                              acc.at[cidx1[s]], ssems[g]).wait()

    fetch_idx(0, 0)
    fetch_idx(1, 1)
    pltpu.sync_copy(zeros_hbm, acc.at[pl.ds(sid * NPT_STEP, NPT)])
    plsc.subcore_barrier()

    def group(i, _):
        for b in range(4):
            j = i * 4 + b
            s = b
            g = b % 2
            so = (b + 2) % 4
            wait_idx(j, s)
            if b >= 2:
                wait_scatter(so, g)
            else:
                @pl.when(i > 0)
                def _():
                    wait_scatter(so, g)
            pltpu.async_copy(xs_hbm.at[ridx[s]], gbufs[g], gsems[g])
            pltpu.make_async_copy(xs_hbm.at[ridx[s]], gbufs[g],
                                  gsems[g]).wait()
            fire_scatter(s, g)
            if b < 2:
                fetch_idx(j + 2, so)
            else:
                @pl.when(i + 1 < ngroups)
                def _():
                    fetch_idx(j + 2, so)
        return _

    lax.fori_loop(0, ngroups, group, None)
    wait_scatter(2, 0)
    wait_scatter(3, 1)

    plsc.subcore_barrier()
    pltpu.sync_copy(acc.at[pl.ds(sid * NPT_STEP, NPT)],
                    out_hbm.at[pl.ds(cid * N_NODES + sid * NPT_STEP, NPT)])


def _edge_partials(xs, rowp, colp, zeros_tile):
    mesh = plsc.VectorSubcoreMesh(core_axis_name="c", subcore_axis_name="s")
    return pl.kernel(
        _edge_body,
        out_type=jax.ShapeDtypeStruct((NC * N_NODES, D), jnp.float32),
        mesh=mesh,
        scratch_types=[
            [pltpu.VMEM((CHUNK,), jnp.int32) for _ in range(4)],
            [pltpu.VMEM((HALF,), jnp.int32) for _ in range(4)],
            [pltpu.VMEM((HALF,), jnp.int32) for _ in range(4)],
            [pltpu.SemaphoreType.DMA for _ in range(4)],
            [pltpu.VMEM((CHUNK, D), jnp.float32) for _ in range(2)],
            [pltpu.SemaphoreType.DMA for _ in range(2)],
            [pltpu.SemaphoreType.DMA for _ in range(2)],
            pltpu.VMEM_SHARED((N_NODES, D), jnp.float32),
        ],
        compiler_params=pltpu.CompilerParams(needs_layout_passes=False),
    )(xs, rowp, colp, zeros_tile)


def _final_body(degp_ref, p0_ref, p1_ref, x_ref, w_ref, out_ref):
    deg = jnp.sum(degp_ref[...], axis=1, keepdims=True)
    degf = deg.astype(jnp.float32)
    s = jnp.where(deg > 0, lax.rsqrt(degf), 0.0)
    sacc = (p0_ref[...] + p1_ref[...]) * s
    x = x_ref[...]
    w = w_ref[...]
    out_ref[...] = (
        jnp.dot(sacc, w[:D, :], preferred_element_type=jnp.float32)
        + jnp.dot(x, w[D:, :], preferred_element_type=jnp.float32)
        + x
    )


def _final(degp_t, part, x, weight, blk=2000):
    nblk = N_NODES // blk
    grid = (nblk,)
    return pl.pallas_call(
        _final_body,
        grid=grid,
        in_specs=[
            pl.BlockSpec((blk, NW), lambda i: (i, 0)),
            pl.BlockSpec((blk, D), lambda i: (i, 0)),
            pl.BlockSpec((blk, D), lambda i, n=nblk: (i + n, 0)),
            pl.BlockSpec((blk, D), lambda i: (i, 0)),
            pl.BlockSpec((2 * D, D), lambda i: (0, 0)),
        ],
        out_specs=pl.BlockSpec((blk, D), lambda i: (i, 0)),
        out_shape=jax.ShapeDtypeStruct((N_NODES, D), jnp.float32),
    )(degp_t, part, part, x, weight)


def kernel(x, edge_index, weight):
    row = edge_index[0].astype(jnp.int32)
    col = edge_index[1].astype(jnp.int32)

    degp = _deg_partials(col).reshape(NW, N_NODES)
    degp_t = degp.T
    xs = _scale_x(degp_t, x)

    zeros_tile = jnp.zeros((NPT, D), jnp.float32)
    part = _edge_partials(xs, row, col, zeros_tile)

    return _final(degp_t, part, x, weight)

# --- scband reference (transcript-rebuilt; emitter-appended) ---
"""Pipeline reference for scband-front-door-backbone-layer-38508676776169 (READ-ONLY COPY).

The authoritative reference and input builder live on the scoring server;
editing this copy changes nothing except your own understanding.
"""

import jax, jax.numpy as jnp
import numpy as np

N_NODES = 10000
N_EDGES = 320000
D_FEAT = 128


def setup_inputs(seed: int = 0) -> dict:
    key = jax.random.key(seed)
    k1, k2, k3 = jax.random.split(key, 3)
    x = jax.random.normal(k1, (N_NODES, D_FEAT), dtype=jnp.float32)
    edge_index = jax.random.randint(k2, (2, N_EDGES), 0, N_NODES, dtype=jnp.int64)
    stdv = 1.0 / (D_FEAT ** 0.5)
    weight = jax.random.uniform(k3, (D_FEAT * 2, D_FEAT), dtype=jnp.float32, minval=-stdv, maxval=stdv)
    return {"x": x, "edge_index": edge_index, "weight": weight}


def gcn_backbone_conv(x, edge_index):
    row = edge_index[0]
    col = edge_index[1]
    num_nodes = x.shape[0]
    deg = jnp.bincount(col, length=num_nodes).astype(x.dtype)
    deg_in = jnp.sqrt(1.0 / deg[col])
    deg_out = jnp.sqrt(1.0 / deg[row])
    value = jnp.ones_like(row, dtype=x.dtype) * deg_in * deg_out
    value = jnp.nan_to_num(value, nan=0.0, posinf=0.0, neginf=0.0)
    # SparseTensor(row=col, col=row, value) @ x == scatter-add of value * x[row] into col
    msgs = x[row] * value[:, None]
    return jax.ops.segment_sum(msgs, col, num_segments=num_nodes)


def reference(x, edge_index, weight):
    h_neigh = gcn_backbone_conv(x, edge_index)
    h = jnp.concatenate([h_neigh, x], axis=1)
    out = jnp.matmul(h, weight)
    out = out + x  # residual=True
    return out

if __name__ == "__main__":
    import jax
    _d = setup_inputs()
    print(jax.jit(kernel)(*tuple(_d.values())))

</pallas_src>

<mosaic_0001>
#map = affine_map<(d0, d1) -> (0, 0)>
#map1 = affine_map<(d0, d1) -> (0)>
module attributes {stable_mosaic.version = 14 : i64} {
  func.func @_edge_body(%arg0: i32, %arg1: i32, %arg2: memref<10000x128xf32, #tpu.memory_space<hbm>>, %arg3: memref<320000xi32, #tpu.memory_space<hbm>>, %arg4: memref<320000xi32, #tpu.memory_space<hbm>>, %arg5: memref<640x128xf32, #tpu.memory_space<hbm>>, %arg6: memref<20000x128xf32, #tpu.memory_space<hbm>>, %arg7: memref<160xi32, #tpu.memory_space<vmem>>, %arg8: memref<160xi32, #tpu.memory_space<vmem>>, %arg9: memref<160xi32, #tpu.memory_space<vmem>>, %arg10: memref<160xi32, #tpu.memory_space<vmem>>, %arg11: memref<80xi32, #tpu.memory_space<vmem>>, %arg12: memref<80xi32, #tpu.memory_space<vmem>>, %arg13: memref<80xi32, #tpu.memory_space<vmem>>, %arg14: memref<80xi32, #tpu.memory_space<vmem>>, %arg15: memref<80xi32, #tpu.memory_space<vmem>>, %arg16: memref<80xi32, #tpu.memory_space<vmem>>, %arg17: memref<80xi32, #tpu.memory_space<vmem>>, %arg18: memref<80xi32, #tpu.memory_space<vmem>>, %arg19: memref<!tpu.dma_semaphore, #tpu.memory_space<semaphore_mem>>, %arg20: memref<!tpu.dma_semaphore, #tpu.memory_space<semaphore_mem>>, %arg21: memref<!tpu.dma_semaphore, #tpu.memory_space<semaphore_mem>>, %arg22: memref<!tpu.dma_semaphore, #tpu.memory_space<semaphore_mem>>, %arg23: memref<160x128xf32, #tpu.memory_space<vmem>>, %arg24: memref<160x128xf32, #tpu.memory_space<vmem>>, %arg25: memref<!tpu.dma_semaphore, #tpu.memory_space<semaphore_mem>>, %arg26: memref<!tpu.dma_semaphore, #tpu.memory_space<semaphore_mem>>, %arg27: memref<!tpu.dma_semaphore, #tpu.memory_space<semaphore_mem>>, %arg28: memref<!tpu.dma_semaphore, #tpu.memory_space<semaphore_mem>>, %arg29: memref<10000x128xf32, #tpu.memory_space<vmem_shared>>) attributes {dimension_semantics = [#tpu.dimension_semantics<core_parallel>, #tpu.dimension_semantics<subcore_parallel>], iteration_bounds = array<i64: 2, 16>, scalar_prefetch = 0 : i64, scratch_operands = 23 : i64, tpu.core_type = #tpu.core_type<sc_vector_subcore>, window_params = [{transform_indices = #map}, {transform_indices = #map1}, {transform_indices = #map1}, {transform_indices = #map}, {transform_indices = #map}]} {
    %mul3A = arith.constant 16 : i32
    %mul3A_0 = arith.muli %arg0, %mul3A : i32
    %add3A = arith.addi %mul3A_0, %arg1 : i32
    %mul3A_1 = arith.constant 10240 : i32
    %mul3A_2 = arith.muli %add3A, %mul3A_1 : i32
    %eq3A = arith.constant 31 : i32
    %eq3A_3 = arith.cmpi eq, %add3A, %eq3A : i32
    %jit3A = arith.constant 4 : i32
    %jit3A_4 = arith.constant 16 : i32
    %select_n3A = arith.select %eq3A_3, %jit3A, %jit3A_4 : i32
    %add3A_5 = arith.constant 0 : i32
    %add3A_6 = arith.addi %mul3A_2, %add3A_5 : i32
    %dma_start3A = tpu.memref_slice %arg3[%add3A_6] : memref<320000xi32, #tpu.memory_space<hbm>> -> memref<160xi32, #tpu.memory_space<hbm>>
    %dma_start3A_7 = tpu.memref_slice %arg3[%add3A_6] : memref<320000xi32, #tpu.memory_space<hbm>> -> memref<160xi32, #tpu.memory_space<hbm>>
    tpu.enqueue_dma source(%dma_start3A_7 : memref<160xi32, #tpu.memory_space<hbm>>) target(%arg7 : memref<160xi32, #tpu.memory_space<vmem>>) target_semaphore(%arg19 : memref<!tpu.dma_semaphore, #tpu.memory_space<semaphore_mem>>)
    %dma_start3A_8 = tpu.memref_slice %arg4[%add3A_6] : memref<320000xi32, #tpu.memory_space<hbm>> -> memref<80xi32, #tpu.memory_space<hbm>>
    %dma_start3A_9 = tpu.memref_slice %arg4[%add3A_6] : memref<320000xi32, #tpu.memory_space<hbm>> -> memref<80xi32, #tpu.memory_space<hbm>>
    tpu.enqueue_dma source(%dma_start3A_9 : memref<80xi32, #tpu.memory_space<hbm>>) target(%arg11 : memref<80xi32, #tpu.memory_space<vmem>>) target_semaphore(%arg19 : memref<!tpu.dma_semaphore, #tpu.memory_space<semaphore_mem>>)
    %add3A_10 = arith.constant 80 : i32
    %add3A_11 = arith.addi %add3A_6, %add3A_10 : i32
    %dma_start3A_12 = tpu.memref_slice %arg4[%add3A_11] : memref<320000xi32, #tpu.memory_space<hbm>> -> memref<80xi32, #tpu.memory_space<hbm>>
    %dma_start3A_13 = tpu.memref_slice %arg4[%add3A_11] : memref<320000xi32, #tpu.memory_space<hbm>> -> memref<80xi32, #tpu.memory_space<hbm>>
    tpu.enqueue_dma source(%dma_start3A_13 : memref<80xi32, #tpu.memory_space<hbm>>) target(%arg15 : memref<80xi32, #tpu.memory_space<vmem>>) target_semaphore(%arg19 : memref<!tpu.dma_semaphore, #tpu.memory_space<semaphore_mem>>)
    %add3A_14 = arith.constant 160 : i32
    %add3A_15 = arith.addi %mul3A_2, %add3A_14 : i32
    %dma_start3A_16 = tpu.memref_slice %arg3[%add3A_15] : memref<320000xi32, #tpu.memory_space<hbm>> -> memref<160xi32, #tpu.memory_space<hbm>>
    %dma_start3A_17 = tpu.memref_slice %arg3[%add3A_15] : memref<320000xi32, #tpu.memory_space<hbm>> -> memref<160xi32, #tpu.memory_space<hbm>>
    tpu.enqueue_dma source(%dma_start3A_17 : memref<160xi32, #tpu.memory_space<hbm>>) target(%arg8 : memref<160xi32, #tpu.memory_space<vmem>>) target_semaphore(%arg20 : memref<!tpu.dma_semaphore, #tpu.memory_space<semaphore_mem>>)
    %dma_start3A_18 = tpu.memref_slice %arg4[%add3A_15] : memref<320000xi32, #tpu.memory_space<hbm>> -> memref<80xi32, #tpu.memory_space<hbm>>
    %dma_start3A_19 = tpu.memref_slice %arg4[%add3A_15] : memref<320000xi32, #tpu.memory_space<hbm>> -> memref<80xi32, #tpu.memory_space<hbm>>
    tpu.enqueue_dma source(%dma_start3A_19 : memref<80xi32, #tpu.memory_space<hbm>>) target(%arg12 : memref<80xi32, #tpu.memory_space<vmem>>) target_semaphore(%arg20 : memref<!tpu.dma_semaphore, #tpu.memory_space<semaphore_mem>>)
    %add3A_20 = arith.constant 80 : i32
    %add3A_21 = arith.addi %add3A_15, %add3A_20 : i32
    %dma_start3A_22 = tpu.memref_slice %arg4[%add3A_21] : memref<320000xi32, #tpu.memory_space<hbm>> -> memref<80xi32, #tpu.memory_space<hbm>>
    %dma_start3A_23 = tpu.memref_slice %arg4[%add3A_21] : memref<320000xi32, #tpu.memory_space<hbm>> -> memref<80xi32, #tpu.memory_space<hbm>>
    tpu.enqueue_dma source(%dma_start3A_23 : memref<80xi32, #tpu.memory_space<hbm>>) target(%arg16 : memref<80xi32, #tpu.memory_space<vmem>>) target_semaphore(%arg20 : memref<!tpu.dma_semaphore, #tpu.memory_space<semaphore_mem>>)
    %mul3A_24 = arith.constant 624 : i32
    %mul3A_25 = arith.muli %arg1, %mul3A_24 : i32
    "tpu.region"() ({
      %run_scoped3A = tpu.sem_alloc : memref<!tpu.dma_semaphore, #tpu.memory_space<semaphore_mem>>
      %dma_start3A_65 = arith.constant 0 : i32
      %dma_start3A_66 = tpu.memref_slice %arg29[%mul3A_25, %dma_start3A_65] : memref<10000x128xf32, #tpu.memory_space<vmem_shared>> -> memref<640x128xf32, #tpu.memory_space<vmem_shared>>
      tpu.enqueue_dma source(%arg5 : memref<640x128xf32, #tpu.memory_space<hbm>>) target(%dma_start3A_66 : memref<640x128xf32, #tpu.memory_space<vmem_shared>>) target_semaphore(%run_scoped3A : memref<!tpu.dma_semaphore, #tpu.memory_space<semaphore_mem>>)
      %dma_wait3A_67 = arith.constant 0 : i32
      %dma_wait3A_68 = tpu.memref_slice %arg29[%mul3A_25, %dma_wait3A_67] : memref<10000x128xf32, #tpu.memory_space<vmem_shared>> -> memref<640x128xf32, #tpu.memory_space<vmem_shared>>
      tpu.wait_dma2 semaphore(%run_scoped3A : memref<!tpu.dma_semaphore, #tpu.memory_space<semaphore_mem>>) src(%arg5 : memref<640x128xf32, #tpu.memory_space<hbm>>) dst(%dma_wait3A_68 : memref<640x128xf32, #tpu.memory_space<vmem_shared>>)
      tpu.yield
    }) : () -> ()
    %barrier3A = arith.constant 0 : index
    tpu.barrier barrier_id(%barrier3A)
    %while3A = arith.constant 0 : i32
    %while3A_26 = arith.subi %select_n3A, %while3A : i32
    %while3A_27 = arith.addi %while3A, %while3A_26 : i32
    %while3A_28 = arith.constant 1 : i32
    %while3A_29 = arith.divsi %while3A_26, %while3A_28 : i32
    %while3A_30 = arith.muli %while3A_29, %while3A_28 : i32
    %while3A_31 = arith.addi %while3A, %while3A_30 : i32
    %while3A_32 = arith.constant 1 : i32
    scf.for %while3A_65 = %while3A to %while3A_31 step %while3A_32  : i32 {
      %mul3A_66 = arith.constant 4 : i32
      %mul3A_67 = arith.muli %while3A_65, %mul3A_66 : i32
      %add3A_68 = arith.constant 0 : i32
      %add3A_69 = arith.addi %mul3A_67, %add3A_68 : i32
      %mul3A_70 = arith.constant 160 : i32
      %mul3A_71 = arith.muli %add3A_69, %mul3A_70 : i32
      %add3A_72 = arith.addi %mul3A_2, %mul3A_71 : i32
      %dma_wait3A_73 = tpu.memref_slice %arg3[%add3A_72] : memref<320000xi32, #tpu.memory_space<hbm>> -> memref<160xi32, #tpu.memory_space<hbm>>
      %dma_wait3A_74 = tpu.memref_slice %arg3[%add3A_72] : memref<320000xi32, #tpu.memory_space<hbm>> -> memref<160xi32, #tpu.memory_space<hbm>>
      tpu.wait_dma2 semaphore(%arg19 : memref<!tpu.dma_semaphore, #tpu.memory_space<semaphore_mem>>) src(%dma_wait3A_74 : memref<160xi32, #tpu.memory_space<hbm>>) dst(%arg7 : memref<160xi32, #tpu.memory_space<vmem>>)
      %dma_wait3A_75 = tpu.memref_slice %arg4[%add3A_72] : memref<320000xi32, #tpu.memory_space<hbm>> -> memref<80xi32, #tpu.memory_space<hbm>>
      %dma_wait3A_76 = tpu.memref_slice %arg4[%add3A_72] : memref<320000xi32, #tpu.memory_space<hbm>> -> memref<80xi32, #tpu.memory_space<hbm>>
      tpu.wait_dma2 semaphore(%arg19 : memref<!tpu.dma_semaphore, #tpu.memory_space<semaphore_mem>>) src(%dma_wait3A_76 : memref<80xi32, #tpu.memory_space<hbm>>) dst(%arg11 : memref<80xi32, #tpu.memory_space<vmem>>)
      %add3A_77 = arith.constant 80 : i32
      %add3A_78 = arith.addi %add3A_72, %add3A_77 : i32
      %dma_wait3A_79 = tpu.memref_slice %arg4[%add3A_78] : memref<320000xi32, #tpu.memory_space<hbm>> -> memref<80xi32, #tpu.memory_space<hbm>>
      %dma_wait3A_80 = tpu.memref_slice %arg4[%add3A_78] : memref<320000xi32, #tpu.memory_space<hbm>> -> memref<80xi32, #tpu.memory_space<hbm>>
      tpu.wait_dma2 semaphore(%arg19 : memref<!tpu.dma_semaphore, #tpu.memory_space<semaphore_mem>>) src(%dma_wait3A_80 : memref<80xi32, #tpu.memory_space<hbm>>) dst(%arg15 : memref<80xi32, #tpu.memory_space<vmem>>)
      %gt3A = arith.constant 0 : i32
      %gt3A_81 = arith.cmpi sgt, %while3A_65, %gt3A : i32
      %convert_element_type3A = arith.extui %gt3A_81 : i1 to i32
      %cond3A = arith.constant 0 : i32
      %cond3A_82 = arith.cmpi ne, %convert_element_type3A, %cond3A : i32
      scf.if %cond3A_82 {
        %dma_wait3A_266 = arith.constant 0 : i32
        %dma_wait3A_267 = arith.constant 0 : i32
        %dma_wait3A_268 = tpu.memref_slice %arg23[%dma_wait3A_266, %dma_wait3A_267] : memref<160x128xf32, #tpu.memory_space<vmem>> -> memref<80x128xf32, #tpu.memory_space<vmem>>
        %dma_wait3A_269 = arith.constant 0 : i32
        %dma_wait3A_270 = arith.constant 0 : i32
        %dma_wait3A_271 = tpu.memref_slice %arg29[%dma_wait3A_269, %dma_wait3A_270] : memref<10000x128xf32, #tpu.memory_space<vmem_shared>> -> memref<10000x128xf32, #tpu.memory_space<vmem_shared>>
        tpu.wait_indirect_dma semaphore(%arg27 : memref<!tpu.dma_semaphore, #tpu.memory_space<semaphore_mem>>) src(%dma_wait3A_268 : memref<80x128xf32, #tpu.memory_space<vmem>>) dst(%dma_wait3A_271 : memref<10000x128xf32, #tpu.memory_space<vmem_shared>>)
        %dma_wait3A_272 = arith.constant 80 : i32
        %dma_wait3A_273 = arith.constant 0 : i32
        %dma_wait3A_274 = tpu.memref_slice %arg23[%dma_wait3A_272, %dma_wait3A_273] : memref<160x128xf32, #tpu.memory_space<vmem>> -> memref<80x128xf32, #tpu.memory_space<vmem>>
        %dma_wait3A_275 = arith.constant 0 : i32
        %dma_wait3A_276 = arith.constant 0 : i32
        %dma_wait3A_277 = tpu.memref_slice %arg29[%dma_wait3A_275, %dma_wait3A_276] : memref<10000x128xf32, #tpu.memory_space<vmem_shared>> -> memref<10000x128xf32, #tpu.memory_space<vmem_shared>>
        tpu.wait_indirect_dma semaphore(%arg27 : memref<!tpu.dma_semaphore, #tpu.memory_space<semaphore_mem>>) src(%dma_wait3A_274 : memref<80x128xf32, #tpu.memory_space<vmem>>) dst(%dma_wait3A_277 : memref<10000x128xf32, #tpu.memory_space<vmem_shared>>)
      } else {
      }
      %dma_start3A_83 = arith.constant 0 : i32
      %dma_start3A_84 = arith.constant 0 : i32
      %dma_start3A_85 = tpu.memref_slice %arg2[%dma_start3A_83, %dma_start3A_84] : memref<10000x128xf32, #tpu.memory_space<hbm>> -> memref<10000x128xf32, #tpu.memory_space<hbm>>
      tpu.enqueue_indirect_dma source(%dma_start3A_85 : memref<10000x128xf32, #tpu.memory_space<hbm>>) target(%arg23 : memref<160x128xf32, #tpu.memory_space<vmem>>) offsets(%arg7 : memref<160xi32, #tpu.memory_space<vmem>>) semaphore(%arg25 : memref<!tpu.dma_semaphore, #tpu.memory_space<semaphore_mem>>)
      %dma_wait3A_86 = arith.constant 0 : i32
      %dma_wait3A_87 = arith.constant 0 : i32
      %dma_wait3A_88 = tpu.memref_slice %arg2[%dma_wait3A_86, %dma_wait3A_87] : memref<10000x128xf32, #tpu.memory_space<hbm>> -> memref<10000x128xf32, #tpu.memory_space<hbm>>
      tpu.wait_indirect_dma semaphore(%arg25 : memref<!tpu.dma_semaphore, #tpu.memory_space<semaphore_mem>>) src(%dma_wait3A_88 : memref<10000x128xf32, #tpu.memory_space<hbm>>) dst(%arg23 : memref<160x128xf32, #tpu.memory_space<vmem>>)
      %dma_start3A_89 = arith.constant 0 : i32
      %dma_start3A_90 = arith.constant 0 : i32
      %dma_start3A_91 = tpu.memref_slice %arg23[%dma_start3A_89, %dma_start3A_90] : memref<160x128xf32, #tpu.memory_space<vmem>> -> memref<80x128xf32, #tpu.memory_space<vmem>>
      %dma_start3A_92 = arith.constant 0 : i32
      %dma_start3A_93 = arith.constant 0 : i32
      %dma_start3A_94 = tpu.memref_slice %arg29[%dma_start3A_92, %dma_start3A_93] : memref<10000x128xf32, #tpu.memory_space<vmem_shared>> -> memref<10000x128xf32, #tpu.memory_space<vmem_shared>>
      tpu.enqueue_indirect_dma source(%dma_start3A_91 : memref<80x128xf32, #tpu.memory_space<vmem>>) target(%dma_start3A_94 : memref<10000x128xf32, #tpu.memory_space<vmem_shared>>) offsets(%arg11 : memref<80xi32, #tpu.memory_space<vmem>>) semaphore(%arg27 : memref<!tpu.dma_semaphore, #tpu.memory_space<semaphore_mem>>) {add = true}
      %dma_start3A_95 = arith.constant 80 : i32
      %dma_start3A_96 = arith.constant 0 : i32
      %dma_start3A_97 = tpu.memref_slice %arg23[%dma_start3A_95, %dma_start3A_96] : memref<160x128xf32, #tpu.memory_space<vmem>> -> memref<80x128xf32, #tpu.memory_space<vmem>>
      %dma_start3A_98 = arith.constant 0 : i32
      %dma_start3A_99 = arith.constant 0 : i32
      %dma_start3A_100 = tpu.memref_slice %arg29[%dma_start3A_98, %dma_start3A_99] : memref<10000x128xf32, #tpu.memory_space<vmem_shared>> -> memref<10000x128xf32, #tpu.memory_space<vmem_shared>>
      tpu.enqueue_indirect_dma source(%dma_start3A_97 : memref<80x128xf32, #tpu.memory_space<vmem>>) target(%dma_start3A_100 : memref<10000x128xf32, #tpu.memory_space<vmem_shared>>) offsets(%arg15 : memref<80xi32, #tpu.memory_space<vmem>>) semaphore(%arg27 : memref<!tpu.dma_semaphore, #tpu.memory_space<semaphore_mem>>) {add = true}
      %add3A_101 = arith.constant 2 : i32
      %add3A_102 = arith.addi %add3A_69, %add3A_101 : i32
      %mul3A_103 = arith.constant 160 : i32
      %mul3A_104 = arith.muli %add3A_102, %mul3A_103 : i32
      %add3A_105 = arith.addi %mul3A_2, %mul3A_104 : i32
      %dma_start3A_106 = tpu.memref_slice %arg3[%add3A_105] : memref<320000xi32, #tpu.memory_space<hbm>> -> memref<160xi32, #tpu.memory_space<hbm>>
      %dma_start3A_107 = tpu.memref_slice %arg3[%add3A_105] : memref<320000xi32, #tpu.memory_space<hbm>> -> memref<160xi32, #tpu.memory_space<hbm>>
      tpu.enqueue_dma source(%dma_start3A_107 : memref<160xi32, #tpu.memory_space<hbm>>) target(%arg9 : memref<160xi32, #tpu.memory_space<vmem>>) target_semaphore(%arg21 : memref<!tpu.dma_semaphore, #tpu.memory_space<semaphore_mem>>)
      %dma_start3A_108 = tpu.memref_slice %arg4[%add3A_105] : memref<320000xi32, #tpu.memory_space<hbm>> -> memref<80xi32, #tpu.memory_space<hbm>>
      %dma_start3A_109 = tpu.memref_slice %arg4[%add3A_105] : memref<320000xi32, #tpu.memory_space<hbm>> -> memref<80xi32, #tpu.memory_space<hbm>>
      tpu.enqueue_dma source(%dma_start3A_109 : memref<80xi32, #tpu.memory_space<hbm>>) target(%arg13 : memref<80xi32, #tpu.memory_space<vmem>>) target_semaphore(%arg21 : memref<!tpu.dma_semaphore, #tpu.memory_space<semaphore_mem>>)
      %add3A_110 = arith.constant 80 : i32
      %add3A_111 = arith.addi %add3A_105, %add3A_110 : i32
      %dma_start3A_112 = tpu.memref_slice %arg4[%add3A_111] : memref<320000xi32, #tpu.memory_space<hbm>> -> memref<80xi32, #tpu.memory_space<hbm>>
      %dma_start3A_113 = tpu.memref_slice %arg4[%add3A_111] : memref<320000xi32, #tpu.memory_space<hbm>> -> memref<80xi32, #tpu.memory_space<hbm>>
      tpu.enqueue_dma source(%dma_start3A_113 : memref<80xi32, #tpu.memory_space<hbm>>) target(%arg17 : memref<80xi32, #tpu.memory_space<vmem>>) target_semaphore(%arg21 : memref<!tpu.dma_semaphore, #tpu.memory_space<semaphore_mem>>)
      %mul3A_114 = arith.constant 4 : i32
      %mul3A_115 = arith.muli %while3A_65, %mul3A_114 : i32
      %add3A_116 = arith.constant 1 : i32
      %add3A_117 = arith.addi %mul3A_115, %add3A_116 : i32
      %mul3A_118 = arith.constant 160 : i32
      %mul3A_119 = arith.muli %add3A_117, %mul3A_118 : i32
      %add3A_120 = arith.addi %mul3A_2, %mul3A_119 : i32
      %dma_wait3A_121 = tpu.memref_slice %arg3[%add3A_120] : memref<320000xi32, #tpu.memory_space<hbm>> -> memref<160xi32, #tpu.memory_space<hbm>>
      %dma_wait3A_122 = tpu.memref_slice %arg3[%add3A_120] : memref<320000xi32, #tpu.memory_space<hbm>> -> memref<160xi32, #tpu.memory_space<hbm>>
      tpu.wait_dma2 semaphore(%arg20 : memref<!tpu.dma_semaphore, #tpu.memory_space<semaphore_mem>>) src(%dma_wait3A_122 : memref<160xi32, #tpu.memory_space<hbm>>) dst(%arg8 : memref<160xi32, #tpu.memory_space<vmem>>)
      %dma_wait3A_123 = tpu.memref_slice %arg4[%add3A_120] : memref<320000xi32, #tpu.memory_space<hbm>> -> memref<80xi32, #tpu.memory_space<hbm>>
      %dma_wait3A_124 = tpu.memref_slice %arg4[%add3A_120] : memref<320000xi32, #tpu.memory_space<hbm>> -> memref<80xi32, #tpu.memory_space<hbm>>
      tpu.wait_dma2 semaphore(%arg20 : memref<!tpu.dma_semaphore, #tpu.memory_space<semaphore_mem>>) src(%dma_wait3A_124 : memref<80xi32, #tpu.memory_space<hbm>>) dst(%arg12 : memref<80xi32, #tpu.memory_space<vmem>>)
      %add3A_125 = arith.constant 80 : i32
      %add3A_126 = arith.addi %add3A_120, %add3A_125 : i32
      %dma_wait3A_127 = tpu.memref_slice %arg4[%add3A_126] : memref<320000xi32, #tpu.memory_space<hbm>> -> memref<80xi32, #tpu.memory_space<hbm>>
      %dma_wait3A_128 = tpu.memref_slice %arg4[%add3A_126] : memref<320000xi32, #tpu.memory_space<hbm>> -> memref<80xi32, #tpu.memory_space<hbm>>
      tpu.wait_dma2 semaphore(%arg20 : memref<!tpu.dma_semaphore, #tpu.memory_space<semaphore_mem>>) src(%dma_wait3A_128 : memref<80xi32, #tpu.memory_space<hbm>>) dst(%arg16 : memref<80xi32, #tpu.memory_space<vmem>>)
      %gt3A_129 = arith.constant 0 : i32
      %gt3A_130 = arith.cmpi sgt, %while3A_65, %gt3A_129 : i32
      %convert_element_type3A_131 = arith.extui %gt3A_130 : i1 to i32
      %cond3A_132 = arith.constant 0 : i32
      %cond3A_133 = arith.cmpi ne, %convert_element_type3A_131, %cond3A_132 : i32
      scf.if %cond3A_133 {
        %dma_wait3A_266 = arith.constant 0 : i32
        %dma_wait3A_267 = arith.constant 0 : i32
        %dma_wait3A_268 = tpu.memref_slice %arg24[%dma_wait3A_266, %dma_wait3A_267] : memref<160x128xf32, #tpu.memory_space<vmem>> -> memref<80x128xf32, #tpu.memory_space<vmem>>
        %dma_wait3A_269 = arith.constant 0 : i32
        %dma_wait3A_270 = arith.constant 0 : i32
        %dma_wait3A_271 = tpu.memref_slice %arg29[%dma_wait3A_269, %dma_wait3A_270] : memref<10000x128xf32, #tpu.memory_space<vmem_shared>> -> memref<10000x128xf32, #tpu.memory_space<vmem_shared>>
        tpu.wait_indirect_dma semaphore(%arg28 : memref<!tpu.dma_semaphore, #tpu.memory_space<semaphore_mem>>) src(%dma_wait3A_268 : memref<80x128xf32, #tpu.memory_space<vmem>>) dst(%dma_wait3A_271 : memref<10000x128xf32, #tpu.memory_space<vmem_shared>>)
        %dma_wait3A_272 = arith.constant 80 : i32
        %dma_wait3A_273 = arith.constant 0 : i32
        %dma_wait3A_274 = tpu.memref_slice %arg24[%dma_wait3A_272, %dma_wait3A_273] : memref<160x128xf32, #tpu.memory_space<vmem>> -> memref<80x128xf32, #tpu.memory_space<vmem>>
        %dma_wait3A_275 = arith.constant 0 : i32
        %dma_wait3A_276 = arith.constant 0 : i32
        %dma_wait3A_277 = tpu.memref_slice %arg29[%dma_wait3A_275, %dma_wait3A_276] : memref<10000x128xf32, #tpu.memory_space<vmem_shared>> -> memref<10000x128xf32, #tpu.memory_space<vmem_shared>>
        tpu.wait_indirect_dma semaphore(%arg28 : memref<!tpu.dma_semaphore, #tpu.memory_space<semaphore_mem>>) src(%dma_wait3A_274 : memref<80x128xf32, #tpu.memory_space<vmem>>) dst(%dma_wait3A_277 : memref<10000x128xf32, #tpu.memory_space<vmem_shared>>)
      } else {
      }
      %dma_start3A_134 = arith.constant 0 : i32
      %dma_start3A_135 = arith.constant 0 : i32
      %dma_start3A_136 = tpu.memref_slice %arg2[%dma_start3A_134, %dma_start3A_135] : memref<10000x128xf32, #tpu.memory_space<hbm>> -> memref<10000x128xf32, #tpu.memory_space<hbm>>
      tpu.enqueue_indirect_dma source(%dma_start3A_136 : memref<10000x128xf32, #tpu.memory_space<hbm>>) target(%arg24 : memref<160x128xf32, #tpu.memory_space<vmem>>) offsets(%arg8 : memref<160xi32, #tpu.memory_space<vmem>>) semaphore(%arg26 : memref<!tpu.dma_semaphore, #tpu.memory_space<semaphore_mem>>)
      %dma_wait3A_137 = arith.constant 0 : i32
      %dma_wait3A_138 = arith.constant 0 : i32
      %dma_wait3A_139 = tpu.memref_slice %arg2[%dma_wait3A_137, %dma_wait3A_138] : memref<10000x128xf32, #tpu.memory_space<hbm>> -> memref<10000x128xf32, #tpu.memory_space<hbm>>
      tpu.wait_indirect_dma semaphore(%arg26 : memref<!tpu.dma_semaphore, #tpu.memory_space<semaphore_mem>>) src(%dma_wait3A_139 : memref<10000x128xf32, #tpu.memory_space<hbm>>) dst(%arg24 : memref<160x128xf32, #tpu.memory_space<vmem>>)
      %dma_start3A_140 = arith.constant 0 : i32
      %dma_start3A_141 = arith.constant 0 : i32
      %dma_start3A_142 = tpu.memref_slice %arg24[%dma_start3A_140, %dma_start3A_141] : memref<160x128xf32, #tpu.memory_space<vmem>> -> memref<80x128xf32, #tpu.memory_space<vmem>>
      %dma_start3A_143 = arith.constant 0 : i32
      %dma_start3A_144 = arith.constant 0 : i32
      %dma_start3A_145 = tpu.memref_slice %arg29[%dma_start3A_143, %dma_start3A_144] : memref<10000x128xf32, #tpu.memory_space<vmem_shared>> -> memref<10000x128xf32, #tpu.memory_space<vmem_shared>>
      tpu.enqueue_indirect_dma source(%dma_start3A_142 : memref<80x128xf32, #tpu.memory_space<vmem>>) target(%dma_start3A_145 : memref<10000x128xf32, #tpu.memory_space<vmem_shared>>) offsets(%arg12 : memref<80xi32, #tpu.memory_space<vmem>>) semaphore(%arg28 : memref<!tpu.dma_semaphore, #tpu.memory_space<semaphore_mem>>) {add = true}
      %dma_start3A_146 = arith.constant 80 : i32
      %dma_start3A_147 = arith.constant 0 : i32
      %dma_start3A_148 = tpu.memref_slice %arg24[%dma_start3A_146, %dma_start3A_147] : memref<160x128xf32, #tpu.memory_space<vmem>> -> memref<80x128xf32, #tpu.memory_space<vmem>>
      %dma_start3A_149 = arith.constant 0 : i32
      %dma_start3A_150 = arith.constant 0 : i32
      %dma_start3A_151 = tpu.memref_slice %arg29[%dma_start3A_149, %dma_start3A_150] : memref<10000x128xf32, #tpu.memory_space<vmem_shared>> -> memref<10000x128xf32, #tpu.memory_space<vmem_shared>>
      tpu.enqueue_indirect_dma source(%dma_start3A_148 : memref<80x128xf32, #tpu.memory_space<vmem>>) target(%dma_start3A_151 : memref<10000x128xf32, #tpu.memory_space<vmem_shared>>) offsets(%arg16 : memref<80xi32, #tpu.memory_space<vmem>>) semaphore(%arg28 : memref<!tpu.dma_semaphore, #tpu.memory_space<semaphore_mem>>) {add = true}
      %add3A_152 = arith.constant 2 : i32
      %add3A_153 = arith.addi %add3A_117, %add3A_152 : i32
      %mul3A_154 = arith.constant 160 : i32
      %mul3A_155 = arith.muli %add3A_153, %mul3A_154 : i32
      %add3A_156 = arith.addi %mul3A_2, %mul3A_155 : i32
      %dma_start3A_157 = tpu.memref_slice %arg3[%add3A_156] : memref<320000xi32, #tpu.memory_space<hbm>> -> memref<160xi32, #tpu.memory_space<hbm>>
      %dma_start3A_158 = tpu.memref_slice %arg3[%add3A_156] : memref<320000xi32, #tpu.memory_space<hbm>> -> memref<160xi32, #tpu.memory_space<hbm>>
      tpu.enqueue_dma source(%dma_start3A_158 : memref<160xi32, #tpu.memory_space<hbm>>) target(%arg10 : memref<160xi32, #tpu.memory_space<vmem>>) target_semaphore(%arg22 : memref<!tpu.dma_semaphore, #tpu.memory_space<semaphore_mem>>)
      %dma_start3A_159 = tpu.memref_slice %arg4[%add3A_156] : memref<320000xi32, #tpu.memory_space<hbm>> -> memref<80xi32, #tpu.memory_space<hbm>>
      %dma_start3A_160 = tpu.memref_slice %arg4[%add3A_156] : memref<320000xi32, #tpu.memory_space<hbm>> -> memref<80xi32, #tpu.memory_space<hbm>>
      tpu.enqueue_dma source(%dma_start3A_160 : memref<80xi32, #tpu.memory_space<hbm>>) target(%arg14 : memref<80xi32, #tpu.memory_space<vmem>>) target_semaphore(%arg22 : memref<!tpu.dma_semaphore, #tpu.memory_space<semaphore_mem>>)
      %add3A_161 = arith.constant 80 : i32
      %add3A_162 = arith.addi %add3A_156, %add3A_161 : i32
      %dma_start3A_163 = tpu.memref_slice %arg4[%add3A_162] : memref<320000xi32, #tpu.memory_space<hbm>> -> memref<80xi32, #tpu.memory_space<hbm>>
      %dma_start3A_164 = tpu.memref_slice %arg4[%add3A_162] : memref<320000xi32, #tpu.memory_space<hbm>> -> memref<80xi32, #tpu.memory_space<hbm>>
      tpu.enqueue_dma source(%dma_start3A_164 : memref<80xi32, #tpu.memory_space<hbm>>) target(%arg18 : memref<80xi32, #tpu.memory_space<vmem>>) target_semaphore(%arg22 : memref<!tpu.dma_semaphore, #tpu.memory_space<semaphore_mem>>)
      %mul3A_165 = arith.constant 4 : i32
      %mul3A_166 = arith.muli %while3A_65, %mul3A_165 : i32
      %add3A_167 = arith.constant 2 : i32
      %add3A_168 = arith.addi %mul3A_166, %add3A_167 : i32
      %mul3A_169 = arith.constant 160 : i32
      %mul3A_170 = arith.muli %add3A_168, %mul3A_169 : i32
      %add3A_171 = arith.addi %mul3A_2, %mul3A_170 : i32
      %dma_wait3A_172 = tpu.memref_slice %arg3[%add3A_171] : memref<320000xi32, #tpu.memory_space<hbm>> -> memref<160xi32, #tpu.memory_space<hbm>>
      %dma_wait3A_173 = tpu.memref_slice %arg3[%add3A_171] : memref<320000xi32, #tpu.memory_space<hbm>> -> memref<160xi32, #tpu.memory_space<hbm>>
      tpu.wait_dma2 semaphore(%arg21 : memref<!tpu.dma_semaphore, #tpu.memory_space<semaphore_mem>>) src(%dma_wait3A_173 : memref<160xi32, #tpu.memory_space<hbm>>) dst(%arg9 : memref<160xi32, #tpu.memory_space<vmem>>)
      %dma_wait3A_174 = tpu.memref_slice %arg4[%add3A_171] : memref<320000xi32, #tpu.memory_space<hbm>> -> memref<80xi32, #tpu.memory_space<hbm>>
      %dma_wait3A_175 = tpu.memref_slice %arg4[%add3A_171] : memref<320000xi32, #tpu.memory_space<hbm>> -> memref<80xi32, #tpu.memory_space<hbm>>
      tpu.wait_dma2 semaphore(%arg21 : memref<!tpu.dma_semaphore, #tpu.memory_space<semaphore_mem>>) src(%dma_wait3A_175 : memref<80xi32, #tpu.memory_space<hbm>>) dst(%arg13 : memref<80xi32, #tpu.memory_space<vmem>>)
      %add3A_176 = arith.constant 80 : i32
      %add3A_177 = arith.addi %add3A_171, %add3A_176 : i32
      %dma_wait3A_178 = tpu.memref_slice %arg4[%add3A_177] : memref<320000xi32, #tpu.memory_space<hbm>> -> memref<80xi32, #tpu.memory_space<hbm>>
      %dma_wait3A_179 = tpu.memref_slice %arg4[%add3A_177] : memref<320000xi32, #tpu.memory_space<hbm>> -> memref<80xi32, #tpu.memory_space<hbm>>
      tpu.wait_dma2 semaphore(%arg21 : memref<!tpu.dma_semaphore, #tpu.memory_space<semaphore_mem>>) src(%dma_wait3A_179 : memref<80xi32, #tpu.memory_space<hbm>>) dst(%arg17 : memref<80xi32, #tpu.memory_space<vmem>>)
      %dma_wait3A_180 = arith.constant 0 : i32
      %dma_wait3A_181 = arith.constant 0 : i32
      %dma_wait3A_182 = tpu.memref_slice %arg23[%dma_wait3A_180, %dma_wait3A_181] : memref<160x128xf32, #tpu.memory_space<vmem>> -> memref<80x128xf32, #tpu.memory_space<vmem>>
      %dma_wait3A_183 = arith.constant 0 : i32
      %dma_wait3A_184 = arith.constant 0 : i32
      %dma_wait3A_185 = tpu.memref_slice %arg29[%dma_wait3A_183, %dma_wait3A_184] : memref<10000x128xf32, #tpu.memory_space<vmem_shared>> -> memref<10000x128xf32, #tpu.memory_space<vmem_shared>>
      tpu.wait_indirect_dma semaphore(%arg27 : memref<!tpu.dma_semaphore, #tpu.memory_space<semaphore_mem>>) src(%dma_wait3A_182 : memref<80x128xf32, #tpu.memory_space<vmem>>) dst(%dma_wait3A_185 : memref<10000x128xf32, #tpu.memory_space<vmem_shared>>)
      %dma_wait3A_186 = arith.constant 80 : i32
      %dma_wait3A_187 = arith.constant 0 : i32
      %dma_wait3A_188 = tpu.memref_slice %arg23[%dma_wait3A_186, %dma_wait3A_187] : memref<160x128xf32, #tpu.memory_space<vmem>> -> memref<80x128xf32, #tpu.memory_space<vmem>>
      %dma_wait3A_189 = arith.constant 0 : i32
      %dma_wait3A_190 = arith.constant 0 : i32
      %dma_wait3A_191 = tpu.memref_slice %arg29[%dma_wait3A_189, %dma_wait3A_190] : memref<10000x128xf32, #tpu.memory_space<vmem_shared>> -> memref<10000x128xf32, #tpu.memory_space<vmem_shared>>
      tpu.wait_indirect_dma semaphore(%arg27 : memref<!tpu.dma_semaphore, #tpu.memory_space<semaphore_mem>>) src(%dma_wait3A_188 : memref<80x128xf32, #tpu.memory_space<vmem>>) dst(%dma_wait3A_191 : memref<10000x128xf32, #tpu.memory_space<vmem_shared>>)
      %dma_start3A_192 = arith.constant 0 : i32
      %dma_start3A_193 = arith.constant 0 : i32
      %dma_start3A_194 = tpu.memref_slice %arg2[%dma_start3A_192, %dma_start3A_193] : memref<10000x128xf32, #tpu.memory_space<hbm>> -> memref<10000x128xf32, #tpu.memory_space<hbm>>
      tpu.enqueue_indirect_dma source(%dma_start3A_194 : memref<10000x128xf32, #tpu.memory_space<hbm>>) target(%arg23 : memref<160x128xf32, #tpu.memory_space<vmem>>) offsets(%arg9 : memref<160xi32, #tpu.memory_space<vmem>>) semaphore(%arg25 : memref<!tpu.dma_semaphore, #tpu.memory_space<semaphore_mem>>)
      %dma_wait3A_195 = arith.constant 0 : i32
      %dma_wait3A_196 = arith.constant 0 : i32
      %dma_wait3A_197 = tpu.memref_slice %arg2[%dma_wait3A_195, %dma_wait3A_196] : memref<10000x128xf32, #tpu.memory_space<hbm>> -> memref<10000x128xf32, #tpu.memory_space<hbm>>
      tpu.wait_indirect_dma semaphore(%arg25 : memref<!tpu.dma_semaphore, #tpu.memory_space<semaphore_mem>>) src(%dma_wait3A_197 : memref<10000x128xf32, #tpu.memory_space<hbm>>) dst(%arg23 : memref<160x128xf32, #tpu.memory_space<vmem>>)
      %dma_start3A_198 = arith.constant 0 : i32
      %dma_start3A_199 = arith.constant 0 : i32
      %dma_start3A_200 = tpu.memref_slice %arg23[%dma_start3A_198, %dma_start3A_199] : memref<160x128xf32, #tpu.memory_space<vmem>> -> memref<80x128xf32, #tpu.memory_space<vmem>>
      %dma_start3A_201 = arith.constant 0 : i32
      %dma_start3A_202 = arith.constant 0 : i32
      %dma_start3A_203 = tpu.memref_slice %arg29[%dma_start3A_201, %dma_start3A_202] : memref<10000x128xf32, #tpu.memory_space<vmem_shared>> -> memref<10000x128xf32, #tpu.memory_space<vmem_shared>>
      tpu.enqueue_indirect_dma source(%dma_start3A_200 : memref<80x128xf32, #tpu.memory_space<vmem>>) target(%dma_start3A_203 : memref<10000x128xf32, #tpu.memory_space<vmem_shared>>) offsets(%arg13 : memref<80xi32, #tpu.memory_space<vmem>>) semaphore(%arg27 : memref<!tpu.dma_semaphore, #tpu.memory_space<semaphore_mem>>) {add = true}
      %dma_start3A_204 = arith.constant 80 : i32
      %dma_start3A_205 = arith.constant 0 : i32
      %dma_start3A_206 = tpu.memref_slice %arg23[%dma_start3A_204, %dma_start3A_205] : memref<160x128xf32, #tpu.memory_space<vmem>> -> memref<80x128xf32, #tpu.memory_space<vmem>>
      %dma_start3A_207 = arith.constant 0 : i32
      %dma_start3A_208 = arith.constant 0 : i32
      %dma_start3A_209 = tpu.memref_slice %arg29[%dma_start3A_207, %dma_start3A_208] : memref<10000x128xf32, #tpu.memory_space<vmem_shared>> -> memref<10000x128xf32, #tpu.memory_space<vmem_shared>>
      tpu.enqueue_indirect_dma source(%dma_start3A_206 : memref<80x128xf32, #tpu.memory_space<vmem>>) target(%dma_start3A_209 : memref<10000x128xf32, #tpu.memory_space<vmem_shared>>) offsets(%arg17 : memref<80xi32, #tpu.memory_space<vmem>>) semaphore(%arg27 : memref<!tpu.dma_semaphore, #tpu.memory_space<semaphore_mem>>) {add = true}
      %add3A_210 = arith.constant 1 : i32
      %add3A_211 = arith.addi %while3A_65, %add3A_210 : i32
      %lt3A = arith.cmpi slt, %add3A_211, %select_n3A : i32
      %convert_element_type3A_212 = arith.extui %lt3A : i1 to i32
      %cond3A_213 = arith.constant 0 : i32
      %cond3A_214 = arith.cmpi ne, %convert_element_type3A_212, %cond3A_213 : i32
      scf.if %cond3A_214 {
        %add3A_266 = arith.constant 2 : i32
        %add3A_267 = arith.addi %add3A_168, %add3A_266 : i32
        %mul3A_268 = arith.constant 160 : i32
        %mul3A_269 = arith.muli %add3A_267, %mul3A_268 : i32
        %add3A_270 = arith.addi %mul3A_2, %mul3A_269 : i32
        %dma_start3A_271 = tpu.memref_slice %arg3[%add3A_270] : memref<320000xi32, #tpu.memory_space<hbm>> -> memref<160xi32, #tpu.memory_space<hbm>>
        %dma_start3A_272 = tpu.memref_slice %arg3[%add3A_270] : memref<320000xi32, #tpu.memory_space<hbm>> -> memref<160xi32, #tpu.memory_space<hbm>>
        tpu.enqueue_dma source(%dma_start3A_272 : memref<160xi32, #tpu.memory_space<hbm>>) target(%arg7 : memref<160xi32, #tpu.memory_space<vmem>>) target_semaphore(%arg19 : memref<!tpu.dma_semaphore, #tpu.memory_space<semaphore_mem>>)
        %dma_start3A_273 = tpu.memref_slice %arg4[%add3A_270] : memref<320000xi32, #tpu.memory_space<hbm>> -> memref<80xi32, #tpu.memory_space<hbm>>
        %dma_start3A_274 = tpu.memref_slice %arg4[%add3A_270] : memref<320000xi32, #tpu.memory_space<hbm>> -> memref<80xi32, #tpu.memory_space<hbm>>
        tpu.enqueue_dma source(%dma_start3A_274 : memref<80xi32, #tpu.memory_space<hbm>>) target(%arg11 : memref<80xi32, #tpu.memory_space<vmem>>) target_semaphore(%arg19 : memref<!tpu.dma_semaphore, #tpu.memory_space<semaphore_mem>>)
        %add3A_275 = arith.constant 80 : i32
        %add3A_276 = arith.addi %add3A_270, %add3A_275 : i32
        %dma_start3A_277 = tpu.memref_slice %arg4[%add3A_276] : memref<320000xi32, #tpu.memory_space<hbm>> -> memref<80xi32, #tpu.memory_space<hbm>>
        %dma_start3A_278 = tpu.memref_slice %arg4[%add3A_276] : memref<320000xi32, #tpu.memory_space<hbm>> -> memref<80xi32, #tpu.memory_space<hbm>>
        tpu.enqueue_dma source(%dma_start3A_278 : memref<80xi32, #tpu.memory_space<hbm>>) target(%arg15 : memref<80xi32, #tpu.memory_space<vmem>>) target_semaphore(%arg19 : memref<!tpu.dma_semaphore, #tpu.memory_space<semaphore_mem>>)
      } else {
      }
      %mul3A_215 = arith.constant 4 : i32
      %mul3A_216 = arith.muli %while3A_65, %mul3A_215 : i32
      %add3A_217 = arith.constant 3 : i32
      %add3A_218 = arith.addi %mul3A_216, %add3A_217 : i32
      %mul3A_219 = arith.constant 160 : i32
      %mul3A_220 = arith.muli %add3A_218, %mul3A_219 : i32
      %add3A_221 = arith.addi %mul3A_2, %mul3A_220 : i32
      %dma_wait3A_222 = tpu.memref_slice %arg3[%add3A_221] : memref<320000xi32, #tpu.memory_space<hbm>> -> memref<160xi32, #tpu.memory_space<hbm>>
      %dma_wait3A_223 = tpu.memref_slice %arg3[%add3A_221] : memref<320000xi32, #tpu.memory_space<hbm>> -> memref<160xi32, #tpu.memory_space<hbm>>
      tpu.wait_dma2 semaphore(%arg22 : memref<!tpu.dma_semaphore, #tpu.memory_space<semaphore_mem>>) src(%dma_wait3A_223 : memref<160xi32, #tpu.memory_space<hbm>>) dst(%arg10 : memref<160xi32, #tpu.memory_space<vmem>>)
      %dma_wait3A_224 = tpu.memref_slice %arg4[%add3A_221] : memref<320000xi32, #tpu.memory_space<hbm>> -> memref<80xi32, #tpu.memory_space<hbm>>
      %dma_wait3A_225 = tpu.memref_slice %arg4[%add3A_221] : memref<320000xi32, #tpu.memory_space<hbm>> -> memref<80xi32, #tpu.memory_space<hbm>>
      tpu.wait_dma2 semaphore(%arg22 : memref<!tpu.dma_semaphore, #tpu.memory_space<semaphore_mem>>) src(%dma_wait3A_225 : memref<80xi32, #tpu.memory_space<hbm>>) dst(%arg14 : memref<80xi32, #tpu.memory_space<vmem>>)
      %add3A_226 = arith.constant 80 : i32
      %add3A_227 = arith.addi %add3A_221, %add3A_226 : i32
      %dma_wait3A_228 = tpu.memref_slice %arg4[%add3A_227] : memref<320000xi32, #tpu.memory_space<hbm>> -> memref<80xi32, #tpu.memory_space<hbm>>
      %dma_wait3A_229 = tpu.memref_slice %arg4[%add3A_227] : memref<320000xi32, #tpu.memory_space<hbm>> -> memref<80xi32, #tpu.memory_space<hbm>>
      tpu.wait_dma2 semaphore(%arg22 : memref<!tpu.dma_semaphore, #tpu.memory_space<semaphore_mem>>) src(%dma_wait3A_229 : memref<80xi32, #tpu.memory_space<hbm>>) dst(%arg18 : memref<80xi32, #tpu.memory_space<vmem>>)
      %dma_wait3A_230 = arith.constant 0 : i32
      %dma_wait3A_231 = arith.constant 0 : i32
      %dma_wait3A_232 = tpu.memref_slice %arg24[%dma_wait3A_230, %dma_wait3A_231] : memref<160x128xf32, #tpu.memory_space<vmem>> -> memref<80x128xf32, #tpu.memory_space<vmem>>
      %dma_wait3A_233 = arith.constant 0 : i32
      %dma_wait3A_234 = arith.constant 0 : i32
      %dma_wait3A_235 = tpu.memref_slice %arg29[%dma_wait3A_233, %dma_wait3A_234] : memref<10000x128xf32, #tpu.memory_space<vmem_shared>> -> memref<10000x128xf32, #tpu.memory_space<vmem_shared>>
      tpu.wait_indirect_dma semaphore(%arg28 : memref<!tpu.dma_semaphore, #tpu.memory_space<semaphore_mem>>) src(%dma_wait3A_232 : memref<80x128xf32, #tpu.memory_space<vmem>>) dst(%dma_wait3A_235 : memref<10000x128xf32, #tpu.memory_space<vmem_shared>>)
      %dma_wait3A_236 = arith.constant 80 : i32
      %dma_wait3A_237 = arith.constant 0 : i32
      %dma_wait3A_238 = tpu.memref_slice %arg24[%dma_wait3A_236, %dma_wait3A_237] : memref<160x128xf32, #tpu.memory_space<vmem>> -> memref<80x128xf32, #tpu.memory_space<vmem>>
      %dma_wait3A_239 = arith.constant 0 : i32
      %dma_wait3A_240 = arith.constant 0 : i32
      %dma_wait3A_241 = tpu.memref_slice %arg29[%dma_wait3A_239, %dma_wait3A_240] : memref<10000x128xf32, #tpu.memory_space<vmem_shared>> -> memref<10000x128xf32, #tpu.memory_space<vmem_shared>>
      tpu.wait_indirect_dma semaphore(%arg28 : memref<!tpu.dma_semaphore, #tpu.memory_space<semaphore_mem>>) src(%dma_wait3A_238 : memref<80x128xf32, #tpu.memory_space<vmem>>) dst(%dma_wait3A_241 : memref<10000x128xf32, #tpu.memory_space<vmem_shared>>)
      %dma_start3A_242 = arith.constant 0 : i32
      %dma_start3A_243 = arith.constant 0 : i32
      %dma_start3A_244 = tpu.memref_slice %arg2[%dma_start3A_242, %dma_start3A_243] : memref<10000x128xf32, #tpu.memory_space<hbm>> -> memref<10000x128xf32, #tpu.memory_space<hbm>>
      tpu.enqueue_indirect_dma source(%dma_start3A_244 : memref<10000x128xf32, #tpu.memory_space<hbm>>) target(%arg24 : memref<160x128xf32, #tpu.memory_space<vmem>>) offsets(%arg10 : memref<160xi32, #tpu.memory_space<vmem>>) semaphore(%arg26 : memref<!tpu.dma_semaphore, #tpu.memory_space<semaphore_mem>>)
      %dma_wait3A_245 = arith.constant 0 : i32
      %dma_wait3A_246 = arith.constant 0 : i32
      %dma_wait3A_247 = tpu.memref_slice %arg2[%dma_wait3A_245, %dma_wait3A_246] : memref<10000x128xf32, #tpu.memory_space<hbm>> -> memref<10000x128xf32, #tpu.memory_space<hbm>>
      tpu.wait_indirect_dma semaphore(%arg26 : memref<!tpu.dma_semaphore, #tpu.memory_space<semaphore_mem>>) src(%dma_wait3A_247 : memref<10000x128xf32, #tpu.memory_space<hbm>>) dst(%arg24 : memref<160x128xf32, #tpu.memory_space<vmem>>)
      %dma_start3A_248 = arith.constant 0 : i32
      %dma_start3A_249 = arith.constant 0 : i32
      %dma_start3A_250 = tpu.memref_slice %arg24[%dma_start3A_248, %dma_start3A_249] : memref<160x128xf32, #tpu.memory_space<vmem>> -> memref<80x128xf32, #tpu.memory_space<vmem>>
      %dma_start3A_251 = arith.constant 0 : i32
      %dma_start3A_252 = arith.constant 0 : i32
      %dma_start3A_253 = tpu.memref_slice %arg29[%dma_start3A_251, %dma_start3A_252] : memref<10000x128xf32, #tpu.memory_space<vmem_shared>> -> memref<10000x128xf32, #tpu.memory_space<vmem_shared>>
      tpu.enqueue_indirect_dma source(%dma_start3A_250 : memref<80x128xf32, #tpu.memory_space<vmem>>) target(%dma_start3A_253 : memref<10000x128xf32, #tpu.memory_space<vmem_shared>>) offsets(%arg14 : memref<80xi32, #tpu.memory_space<vmem>>) semaphore(%arg28 : memref<!tpu.dma_semaphore, #tpu.memory_space<semaphore_mem>>) {add = true}
      %dma_start3A_254 = arith.constant 80 : i32
      %dma_start3A_255 = arith.constant 0 : i32
      %dma_start3A_256 = tpu.memref_slice %arg24[%dma_start3A_254, %dma_start3A_255] : memref<160x128xf32, #tpu.memory_space<vmem>> -> memref<80x128xf32, #tpu.memory_space<vmem>>
      %dma_start3A_257 = arith.constant 0 : i32
      %dma_start3A_258 = arith.constant 0 : i32
      %dma_start3A_259 = tpu.memref_slice %arg29[%dma_start3A_257, %dma_start3A_258] : memref<10000x128xf32, #tpu.memory_space<vmem_shared>> -> memref<10000x128xf32, #tpu.memory_space<vmem_shared>>
      tpu.enqueue_indirect_dma source(%dma_start3A_256 : memref<80x128xf32, #tpu.memory_space<vmem>>) target(%dma_start3A_259 : memref<10000x128xf32, #tpu.memory_space<vmem_shared>>) offsets(%arg18 : memref<80xi32, #tpu.memory_space<vmem>>) semaphore(%arg28 : memref<!tpu.dma_semaphore, #tpu.memory_space<semaphore_mem>>) {add = true}
      %add3A_260 = arith.constant 1 : i32
      %add3A_261 = arith.addi %while3A_65, %add3A_260 : i32
      %lt3A_262 = arith.cmpi slt, %add3A_261, %select_n3A : i32
      %convert_element_type3A_263 = arith.extui %lt3A_262 : i1 to i32
      %cond3A_264 = arith.constant 0 : i32
      %cond3A_265 = arith.cmpi ne, %convert_element_type3A_263, %cond3A_264 : i32
      scf.if %cond3A_265 {
        %add3A_266 = arith.constant 2 : i32
        %add3A_267 = arith.addi %add3A_218, %add3A_266 : i32
        %mul3A_268 = arith.constant 160 : i32
        %mul3A_269 = arith.muli %add3A_267, %mul3A_268 : i32
        %add3A_270 = arith.addi %mul3A_2, %mul3A_269 : i32
        %dma_start3A_271 = tpu.memref_slice %arg3[%add3A_270] : memref<320000xi32, #tpu.memory_space<hbm>> -> memref<160xi32, #tpu.memory_space<hbm>>
        %dma_start3A_272 = tpu.memref_slice %arg3[%add3A_270] : memref<320000xi32, #tpu.memory_space<hbm>> -> memref<160xi32, #tpu.memory_space<hbm>>
        tpu.enqueue_dma source(%dma_start3A_272 : memref<160xi32, #tpu.memory_space<hbm>>) target(%arg8 : memref<160xi32, #tpu.memory_space<vmem>>) target_semaphore(%arg20 : memref<!tpu.dma_semaphore, #tpu.memory_space<semaphore_mem>>)
        %dma_start3A_273 = tpu.memref_slice %arg4[%add3A_270] : memref<320000xi32, #tpu.memory_space<hbm>> -> memref<80xi32, #tpu.memory_space<hbm>>
        %dma_start3A_274 = tpu.memref_slice %arg4[%add3A_270] : memref<320000xi32, #tpu.memory_space<hbm>> -> memref<80xi32, #tpu.memory_space<hbm>>
        tpu.enqueue_dma source(%dma_start3A_274 : memref<80xi32, #tpu.memory_space<hbm>>) target(%arg12 : memref<80xi32, #tpu.memory_space<vmem>>) target_semaphore(%arg20 : memref<!tpu.dma_semaphore, #tpu.memory_space<semaphore_mem>>)
        %add3A_275 = arith.constant 80 : i32
        %add3A_276 = arith.addi %add3A_270, %add3A_275 : i32
        %dma_start3A_277 = tpu.memref_slice %arg4[%add3A_276] : memref<320000xi32, #tpu.memory_space<hbm>> -> memref<80xi32, #tpu.memory_space<hbm>>
        %dma_start3A_278 = tpu.memref_slice %arg4[%add3A_276] : memref<320000xi32, #tpu.memory_space<hbm>> -> memref<80xi32, #tpu.memory_space<hbm>>
        tpu.enqueue_dma source(%dma_start3A_278 : memref<80xi32, #tpu.memory_space<hbm>>) target(%arg16 : memref<80xi32, #tpu.memory_space<vmem>>) target_semaphore(%arg20 : memref<!tpu.dma_semaphore, #tpu.memory_space<semaphore_mem>>)
      } else {
      }
    }
    %while3A_33 = arith.constant 1 : i32
    scf.for %while3A_65 = %while3A_31 to %while3A_27 step %while3A_33  : i32 {
      %mul3A_66 = arith.constant 4 : i32
      %mul3A_67 = arith.muli %while3A_65, %mul3A_66 : i32
      %add3A_68 = arith.constant 0 : i32
      %add3A_69 = arith.addi %mul3A_67, %add3A_68 : i32
      %mul3A_70 = arith.constant 160 : i32
      %mul3A_71 = arith.muli %add3A_69, %mul3A_70 : i32
      %add3A_72 = arith.addi %mul3A_2, %mul3A_71 : i32
      %dma_wait3A_73 = tpu.memref_slice %arg3[%add3A_72] : memref<320000xi32, #tpu.memory_space<hbm>> -> memref<160xi32, #tpu.memory_space<hbm>>
      %dma_wait3A_74 = tpu.memref_slice %arg3[%add3A_72] : memref<320000xi32, #tpu.memory_space<hbm>> -> memref<160xi32, #tpu.memory_space<hbm>>
      tpu.wait_dma2 semaphore(%arg19 : memref<!tpu.dma_semaphore, #tpu.memory_space<semaphore_mem>>) src(%dma_wait3A_74 : memref<160xi32, #tpu.memory_space<hbm>>) dst(%arg7 : memref<160xi32, #tpu.memory_space<vmem>>)
      %dma_wait3A_75 = tpu.memref_slice %arg4[%add3A_72] : memref<320000xi32, #tpu.memory_space<hbm>> -> memref<80xi32, #tpu.memory_space<hbm>>
      %dma_wait3A_76 = tpu.memref_slice %arg4[%add3A_72] : memref<320000xi32, #tpu.memory_space<hbm>> -> memref<80xi32, #tpu.memory_space<hbm>>
      tpu.wait_dma2 semaphore(%arg19 : memref<!tpu.dma_semaphore, #tpu.memory_space<semaphore_mem>>) src(%dma_wait3A_76 : memref<80xi32, #tpu.memory_space<hbm>>) dst(%arg11 : memref<80xi32, #tpu.memory_space<vmem>>)
      %add3A_77 = arith.constant 80 : i32
      %add3A_78 = arith.addi %add3A_72, %add3A_77 : i32
      %dma_wait3A_79 = tpu.memref_slice %arg4[%add3A_78] : memref<320000xi32, #tpu.memory_space<hbm>> -> memref<80xi32, #tpu.memory_space<hbm>>
      %dma_wait3A_80 = tpu.memref_slice %arg4[%add3A_78] : memref<320000xi32, #tpu.memory_space<hbm>> -> memref<80xi32, #tpu.memory_space<hbm>>
      tpu.wait_dma2 semaphore(%arg19 : memref<!tpu.dma_semaphore, #tpu.memory_space<semaphore_mem>>) src(%dma_wait3A_80 : memref<80xi32, #tpu.memory_space<hbm>>) dst(%arg15 : memref<80xi32, #tpu.memory_space<vmem>>)
      %gt3A = arith.constant 0 : i32
      %gt3A_81 = arith.cmpi sgt, %while3A_65, %gt3A : i32
      %convert_element_type3A = arith.extui %gt3A_81 : i1 to i32
      %cond3A = arith.constant 0 : i32
      %cond3A_82 = arith.cmpi ne, %convert_element_type3A, %cond3A : i32
      scf.if %cond3A_82 {
        %dma_wait3A_266 = arith.constant 0 : i32
        %dma_wait3A_267 = arith.constant 0 : i32
        %dma_wait3A_268 = tpu.memref_slice %arg23[%dma_wait3A_266, %dma_wait3A_267] : memref<160x128xf32, #tpu.memory_space<vmem>> -> memref<80x128xf32, #tpu.memory_space<vmem>>
        %dma_wait3A_269 = arith.constant 0 : i32
        %dma_wait3A_270 = arith.constant 0 : i32
        %dma_wait3A_271 = tpu.memref_slice %arg29[%dma_wait3A_269, %dma_wait3A_270] : memref<10000x128xf32, #tpu.memory_space<vmem_shared>> -> memref<10000x128xf32, #tpu.memory_space<vmem_shared>>
        tpu.wait_indirect_dma semaphore(%arg27 : memref<!tpu.dma_semaphore, #tpu.memory_space<semaphore_mem>>) src(%dma_wait3A_268 : memref<80x128xf32, #tpu.memory_space<vmem>>) dst(%dma_wait3A_271 : memref<10000x128xf32, #tpu.memory_space<vmem_shared>>)
        %dma_wait3A_272 = arith.constant 80 : i32
        %dma_wait3A_273 = arith.constant 0 : i32
        %dma_wait3A_274 = tpu.memref_slice %arg23[%dma_wait3A_272, %dma_wait3A_273] : memref<160x128xf32, #tpu.memory_space<vmem>> -> memref<80x128xf32, #tpu.memory_space<vmem>>
        %dma_wait3A_275 = arith.constant 0 : i32
        %dma_wait3A_276 = arith.constant 0 : i32
        %dma_wait3A_277 = tpu.memref_slice %arg29[%dma_wait3A_275, %dma_wait3A_276] : memref<10000x128xf32, #tpu.memory_space<vmem_shared>> -> memref<10000x128xf32, #tpu.memory_space<vmem_shared>>
        tpu.wait_indirect_dma semaphore(%arg27 : memref<!tpu.dma_semaphore, #tpu.memory_space<semaphore_mem>>) src(%dma_wait3A_274 : memref<80x128xf32, #tpu.memory_space<vmem>>) dst(%dma_wait3A_277 : memref<10000x128xf32, #tpu.memory_space<vmem_shared>>)
      } else {
      }
      %dma_start3A_83 = arith.constant 0 : i32
      %dma_start3A_84 = arith.constant 0 : i32
      %dma_start3A_85 = tpu.memref_slice %arg2[%dma_start3A_83, %dma_start3A_84] : memref<10000x128xf32, #tpu.memory_space<hbm>> -> memref<10000x128xf32, #tpu.memory_space<hbm>>
      tpu.enqueue_indirect_dma source(%dma_start3A_85 : memref<10000x128xf32, #tpu.memory_space<hbm>>) target(%arg23 : memref<160x128xf32, #tpu.memory_space<vmem>>) offsets(%arg7 : memref<160xi32, #tpu.memory_space<vmem>>) semaphore(%arg25 : memref<!tpu.dma_semaphore, #tpu.memory_space<semaphore_mem>>)
      %dma_wait3A_86 = arith.constant 0 : i32
      %dma_wait3A_87 = arith.constant 0 : i32
      %dma_wait3A_88 = tpu.memref_slice %arg2[%dma_wait3A_86, %dma_wait3A_87] : memref<10000x128xf32, #tpu.memory_space<hbm>> -> memref<10000x128xf32, #tpu.memory_space<hbm>>
      tpu.wait_indirect_dma semaphore(%arg25 : memref<!tpu.dma_semaphore, #tpu.memory_space<semaphore_mem>>) src(%dma_wait3A_88 : memref<10000x128xf32, #tpu.memory_space<hbm>>) dst(%arg23 : memref<160x128xf32, #tpu.memory_space<vmem>>)
      %dma_start3A_89 = arith.constant 0 : i32
      %dma_start3A_90 = arith.constant 0 : i32
      %dma_start3A_91 = tpu.memref_slice %arg23[%dma_start3A_89, %dma_start3A_90] : memref<160x128xf32, #tpu.memory_space<vmem>> -> memref<80x128xf32, #tpu.memory_space<vmem>>
      %dma_start3A_92 = arith.constant 0 : i32
      %dma_start3A_93 = arith.constant 0 : i32
      %dma_start3A_94 = tpu.memref_slice %arg29[%dma_start3A_92, %dma_start3A_93] : memref<10000x128xf32, #tpu.memory_space<vmem_shared>> -> memref<10000x128xf32, #tpu.memory_space<vmem_shared>>
      tpu.enqueue_indirect_dma source(%dma_start3A_91 : memref<80x128xf32, #tpu.memory_space<vmem>>) target(%dma_start3A_94 : memref<10000x128xf32, #tpu.memory_space<vmem_shared>>) offsets(%arg11 : memref<80xi32, #tpu.memory_space<vmem>>) semaphore(%arg27 : memref<!tpu.dma_semaphore, #tpu.memory_space<semaphore_mem>>) {add = true}
      %dma_start3A_95 = arith.constant 80 : i32
      %dma_start3A_96 = arith.constant 0 : i32
      %dma_start3A_97 = tpu.memref_slice %arg23[%dma_start3A_95, %dma_start3A_96] : memref<160x128xf32, #tpu.memory_space<vmem>> -> memref<80x128xf32, #tpu.memory_space<vmem>>
      %dma_start3A_98 = arith.constant 0 : i32
      %dma_start3A_99 = arith.constant 0 : i32
      %dma_start3A_100 = tpu.memref_slice %arg29[%dma_start3A_98, %dma_start3A_99] : memref<10000x128xf32, #tpu.memory_space<vmem_shared>> -> memref<10000x128xf32, #tpu.memory_space<vmem_shared>>
      tpu.enqueue_indirect_dma source(%dma_start3A_97 : memref<80x128xf32, #tpu.memory_space<vmem>>) target(%dma_start3A_100 : memref<10000x128xf32, #tpu.memory_space<vmem_shared>>) offsets(%arg15 : memref<80xi32, #tpu.memory_space<vmem>>) semaphore(%arg27 : memref<!tpu.dma_semaphore, #tpu.memory_space<semaphore_mem>>) {add = true}
      %add3A_101 = arith.constant 2 : i32
      %add3A_102 = arith.addi %add3A_69, %add3A_101 : i32
      %mul3A_103 = arith.constant 160 : i32
      %mul3A_104 = arith.muli %add3A_102, %mul3A_103 : i32
      %add3A_105 = arith.addi %mul3A_2, %mul3A_104 : i32
      %dma_start3A_106 = tpu.memref_slice %arg3[%add3A_105] : memref<320000xi32, #tpu.memory_space<hbm>> -> memref<160xi32, #tpu.memory_space<hbm>>
      %dma_start3A_107 = tpu.memref_slice %arg3[%add3A_105] : memref<320000xi32, #tpu.memory_space<hbm>> -> memref<160xi32, #tpu.memory_space<hbm>>
      tpu.enqueue_dma source(%dma_start3A_107 : memref<160xi32, #tpu.memory_space<hbm>>) target(%arg9 : memref<160xi32, #tpu.memory_space<vmem>>) target_semaphore(%arg21 : memref<!tpu.dma_semaphore, #tpu.memory_space<semaphore_mem>>)
      %dma_start3A_108 = tpu.memref_slice %arg4[%add3A_105] : memref<320000xi32, #tpu.memory_space<hbm>> -> memref<80xi32, #tpu.memory_space<hbm>>
      %dma_start3A_109 = tpu.memref_slice %arg4[%add3A_105] : memref<320000xi32, #tpu.memory_space<hbm>> -> memref<80xi32, #tpu.memory_space<hbm>>
      tpu.enqueue_dma source(%dma_start3A_109 : memref<80xi32, #tpu.memory_space<hbm>>) target(%arg13 : memref<80xi32, #tpu.memory_space<vmem>>) target_semaphore(%arg21 : memref<!tpu.dma_semaphore, #tpu.memory_space<semaphore_mem>>)
      %add3A_110 = arith.constant 80 : i32
      %add3A_111 = arith.addi %add3A_105, %add3A_110 : i32
      %dma_start3A_112 = tpu.memref_slice %arg4[%add3A_111] : memref<320000xi32, #tpu.memory_space<hbm>> -> memref<80xi32, #tpu.memory_space<hbm>>
      %dma_start3A_113 = tpu.memref_slice %arg4[%add3A_111] : memref<320000xi32, #tpu.memory_space<hbm>> -> memref<80xi32, #tpu.memory_space<hbm>>
      tpu.enqueue_dma source(%dma_start3A_113 : memref<80xi32, #tpu.memory_space<hbm>>) target(%arg17 : memref<80xi32, #tpu.memory_space<vmem>>) target_semaphore(%arg21 : memref<!tpu.dma_semaphore, #tpu.memory_space<semaphore_mem>>)
      %mul3A_114 = arith.constant 4 : i32
      %mul3A_115 = arith.muli %while3A_65, %mul3A_114 : i32
      %add3A_116 = arith.constant 1 : i32
      %add3A_117 = arith.addi %mul3A_115, %add3A_116 : i32
      %mul3A_118 = arith.constant 160 : i32
      %mul3A_119 = arith.muli %add3A_117, %mul3A_118 : i32
      %add3A_120 = arith.addi %mul3A_2, %mul3A_119 : i32
      %dma_wait3A_121 = tpu.memref_slice %arg3[%add3A_120] : memref<320000xi32, #tpu.memory_space<hbm>> -> memref<160xi32, #tpu.memory_space<hbm>>
      %dma_wait3A_122 = tpu.memref_slice %arg3[%add3A_120] : memref<320000xi32, #tpu.memory_space<hbm>> -> memref<160xi32, #tpu.memory_space<hbm>>
      tpu.wait_dma2 semaphore(%arg20 : memref<!tpu.dma_semaphore, #tpu.memory_space<semaphore_mem>>) src(%dma_wait3A_122 : memref<160xi32, #tpu.memory_space<hbm>>) dst(%arg8 : memref<160xi32, #tpu.memory_space<vmem>>)
      %dma_wait3A_123 = tpu.memref_slice %arg4[%add3A_120] : memref<320000xi32, #tpu.memory_space<hbm>> -> memref<80xi32, #tpu.memory_space<hbm>>
      %dma_wait3A_124 = tpu.memref_slice %arg4[%add3A_120] : memref<320000xi32, #tpu.memory_space<hbm>> -> memref<80xi32, #tpu.memory_space<hbm>>
      tpu.wait_dma2 semaphore(%arg20 : memref<!tpu.dma_semaphore, #tpu.memory_space<semaphore_mem>>) src(%dma_wait3A_124 : memref<80xi32, #tpu.memory_space<hbm>>) dst(%arg12 : memref<80xi32, #tpu.memory_space<vmem>>)
      %add3A_125 = arith.constant 80 : i32
      %add3A_126 = arith.addi %add3A_120, %add3A_125 : i32
      %dma_wait3A_127 = tpu.memref_slice %arg4[%add3A_126] : memref<320000xi32, #tpu.memory_space<hbm>> -> memref<80xi32, #tpu.memory_space<hbm>>
      %dma_wait3A_128 = tpu.memref_slice %arg4[%add3A_126] : memref<320000xi32, #tpu.memory_space<hbm>> -> memref<80xi32, #tpu.memory_space<hbm>>
      tpu.wait_dma2 semaphore(%arg20 : memref<!tpu.dma_semaphore, #tpu.memory_space<semaphore_mem>>) src(%dma_wait3A_128 : memref<80xi32, #tpu.memory_space<hbm>>) dst(%arg16 : memref<80xi32, #tpu.memory_space<vmem>>)
      %gt3A_129 = arith.constant 0 : i32
      %gt3A_130 = arith.cmpi sgt, %while3A_65, %gt3A_129 : i32
      %convert_element_type3A_131 = arith.extui %gt3A_130 : i1 to i32
      %cond3A_132 = arith.constant 0 : i32
      %cond3A_133 = arith.cmpi ne, %convert_element_type3A_131, %cond3A_132 : i32
      scf.if %cond3A_133 {
        %dma_wait3A_266 = arith.constant 0 : i32
        %dma_wait3A_267 = arith.constant 0 : i32
        %dma_wait3A_268 = tpu.memref_slice %arg24[%dma_wait3A_266, %dma_wait3A_267] : memref<160x128xf32, #tpu.memory_space<vmem>> -> memref<80x128xf32, #tpu.memory_space<vmem>>
        %dma_wait3A_269 = arith.constant 0 : i32
        %dma_wait3A_270 = arith.constant 0 : i32
        %dma_wait3A_271 = tpu.memref_slice %arg29[%dma_wait3A_269, %dma_wait3A_270] : memref<10000x128xf32, #tpu.memory_space<vmem_shared>> -> memref<10000x128xf32, #tpu.memory_space<vmem_shared>>
        tpu.wait_indirect_dma semaphore(%arg28 : memref<!tpu.dma_semaphore, #tpu.memory_space<semaphore_mem>>) src(%dma_wait3A_268 : memref<80x128xf32, #tpu.memory_space<vmem>>) dst(%dma_wait3A_271 : memref<10000x128xf32, #tpu.memory_space<vmem_shared>>)
        %dma_wait3A_272 = arith.constant 80 : i32
        %dma_wait3A_273 = arith.constant 0 : i32
        %dma_wait3A_274 = tpu.memref_slice %arg24[%dma_wait3A_272, %dma_wait3A_273] : memref<160x128xf32, #tpu.memory_space<vmem>> -> memref<80x128xf32, #tpu.memory_space<vmem>>
        %dma_wait3A_275 = arith.constant 0 : i32
        %dma_wait3A_276 = arith.constant 0 : i32
        %dma_wait3A_277 = tpu.memref_slice %arg29[%dma_wait3A_275, %dma_wait3A_276] : memref<10000x128xf32, #tpu.memory_space<vmem_shared>> -> memref<10000x128xf32, #tpu.memory_space<vmem_shared>>
        tpu.wait_indirect_dma semaphore(%arg28 : memref<!tpu.dma_semaphore, #tpu.memory_space<semaphore_mem>>) src(%dma_wait3A_274 : memref<80x128xf32, #tpu.memory_space<vmem>>) dst(%dma_wait3A_277 : memref<10000x128xf32, #tpu.memory_space<vmem_shared>>)
      } else {
      }
      %dma_start3A_134 = arith.constant 0 : i32
      %dma_start3A_135 = arith.constant 0 : i32
      %dma_start3A_136 = tpu.memref_slice %arg2[%dma_start3A_134, %dma_start3A_135] : memref<10000x128xf32, #tpu.memory_space<hbm>> -> memref<10000x128xf32, #tpu.memory_space<hbm>>
      tpu.enqueue_indirect_dma source(%dma_start3A_136 : memref<10000x128xf32, #tpu.memory_space<hbm>>) target(%arg24 : memref<160x128xf32, #tpu.memory_space<vmem>>) offsets(%arg8 : memref<160xi32, #tpu.memory_space<vmem>>) semaphore(%arg26 : memref<!tpu.dma_semaphore, #tpu.memory_space<semaphore_mem>>)
      %dma_wait3A_137 = arith.constant 0 : i32
      %dma_wait3A_138 = arith.constant 0 : i32
      %dma_wait3A_139 = tpu.memref_slice %arg2[%dma_wait3A_137, %dma_wait3A_138] : memref<10000x128xf32, #tpu.memory_space<hbm>> -> memref<10000x128xf32, #tpu.memory_space<hbm>>
      tpu.wait_indirect_dma semaphore(%arg26 : memref<!tpu.dma_semaphore, #tpu.memory_space<semaphore_mem>>) src(%dma_wait3A_139 : memref<10000x128xf32, #tpu.memory_space<hbm>>) dst(%arg24 : memref<160x128xf32, #tpu.memory_space<vmem>>)
      %dma_start3A_140 = arith.constant 0 : i32
      %dma_start3A_141 = arith.constant 0 : i32
      %dma_start3A_142 = tpu.memref_slice %arg24[%dma_start3A_140, %dma_start3A_141] : memref<160x128xf32, #tpu.memory_space<vmem>> -> memref<80x128xf32, #tpu.memory_space<vmem>>
      %dma_start3A_143 = arith.constant 0 : i32
      %dma_start3A_144 = arith.constant 0 : i32
      %dma_start3A_145 = tpu.memref_slice %arg29[%dma_start3A_143, %dma_start3A_144] : memref<10000x128xf32, #tpu.memory_space<vmem_shared>> -> memref<10000x128xf32, #tpu.memory_space<vmem_shared>>
      tpu.enqueue_indirect_dma source(%dma_start3A_142 : memref<80x128xf32, #tpu.memory_space<vmem>>) target(%dma_start3A_145 : memref<10000x128xf32, #tpu.memory_space<vmem_shared>>) offsets(%arg12 : memref<80xi32, #tpu.memory_space<vmem>>) semaphore(%arg28 : memref<!tpu.dma_semaphore, #tpu.memory_space<semaphore_mem>>) {add = true}
      %dma_start3A_146 = arith.constant 80 : i32
      %dma_start3A_147 = arith.constant 0 : i32
      %dma_start3A_148 = tpu.memref_slice %arg24[%dma_start3A_146, %dma_start3A_147] : memref<160x128xf32, #tpu.memory_space<vmem>> -> memref<80x128xf32, #tpu.memory_space<vmem>>
      %dma_start3A_149 = arith.constant 0 : i32
      %dma_start3A_150 = arith.constant 0 : i32
      %dma_start3A_151 = tpu.memref_slice %arg29[%dma_start3A_149, %dma_start3A_150] : memref<10000x128xf32, #tpu.memory_space<vmem_shared>> -> memref<10000x128xf32, #tpu.memory_space<vmem_shared>>
      tpu.enqueue_indirect_dma source(%dma_start3A_148 : memref<80x128xf32, #tpu.memory_space<vmem>>) target(%dma_start3A_151 : memref<10000x128xf32, #tpu.memory_space<vmem_shared>>) offsets(%arg16 : memref<80xi32, #tpu.memory_space<vmem>>) semaphore(%arg28 : memref<!tpu.dma_semaphore, #tpu.memory_space<semaphore_mem>>) {add = true}
      %add3A_152 = arith.constant 2 : i32
      %add3A_153 = arith.addi %add3A_117, %add3A_152 : i32
      %mul3A_154 = arith.constant 160 : i32
      %mul3A_155 = arith.muli %add3A_153, %mul3A_154 : i32
      %add3A_156 = arith.addi %mul3A_2, %mul3A_155 : i32
      %dma_start3A_157 = tpu.memref_slice %arg3[%add3A_156] : memref<320000xi32, #tpu.memory_space<hbm>> -> memref<160xi32, #tpu.memory_space<hbm>>
      %dma_start3A_158 = tpu.memref_slice %arg3[%add3A_156] : memref<320000xi32, #tpu.memory_space<hbm>> -> memref<160xi32, #tpu.memory_space<hbm>>
      tpu.enqueue_dma source(%dma_start3A_158 : memref<160xi32, #tpu.memory_space<hbm>>) target(%arg10 : memref<160xi32, #tpu.memory_space<vmem>>) target_semaphore(%arg22 : memref<!tpu.dma_semaphore, #tpu.memory_space<semaphore_mem>>)
      %dma_start3A_159 = tpu.memref_slice %arg4[%add3A_156] : memref<320000xi32, #tpu.memory_space<hbm>> -> memref<80xi32, #tpu.memory_space<hbm>>
      %dma_start3A_160 = tpu.memref_slice %arg4[%add3A_156] : memref<320000xi32, #tpu.memory_space<hbm>> -> memref<80xi32, #tpu.memory_space<hbm>>
      tpu.enqueue_dma source(%dma_start3A_160 : memref<80xi32, #tpu.memory_space<hbm>>) target(%arg14 : memref<80xi32, #tpu.memory_space<vmem>>) target_semaphore(%arg22 : memref<!tpu.dma_semaphore, #tpu.memory_space<semaphore_mem>>)
      %add3A_161 = arith.constant 80 : i32
      %add3A_162 = arith.addi %add3A_156, %add3A_161 : i32
      %dma_start3A_163 = tpu.memref_slice %arg4[%add3A_162] : memref<320000xi32, #tpu.memory_space<hbm>> -> memref<80xi32, #tpu.memory_space<hbm>>
      %dma_start3A_164 = tpu.memref_slice %arg4[%add3A_162] : memref<320000xi32, #tpu.memory_space<hbm>> -> memref<80xi32, #tpu.memory_space<hbm>>
      tpu.enqueue_dma source(%dma_start3A_164 : memref<80xi32, #tpu.memory_space<hbm>>) target(%arg18 : memref<80xi32, #tpu.memory_space<vmem>>) target_semaphore(%arg22 : memref<!tpu.dma_semaphore, #tpu.memory_space<semaphore_mem>>)
      %mul3A_165 = arith.constant 4 : i32
      %mul3A_166 = arith.muli %while3A_65, %mul3A_165 : i32
      %add3A_167 = arith.constant 2 : i32
      %add3A_168 = arith.addi %mul3A_166, %add3A_167 : i32
      %mul3A_169 = arith.constant 160 : i32
      %mul3A_170 = arith.muli %add3A_168, %mul3A_169 : i32
      %add3A_171 = arith.addi %mul3A_2, %mul3A_170 : i32
      %dma_wait3A_172 = tpu.memref_slice %arg3[%add3A_171] : memref<320000xi32, #tpu.memory_space<hbm>> -> memref<160xi32, #tpu.memory_space<hbm>>
      %dma_wait3A_173 = tpu.memref_slice %arg3[%add3A_171] : memref<320000xi32, #tpu.memory_space<hbm>> -> memref<160xi32, #tpu.memory_space<hbm>>
      tpu.wait_dma2 semaphore(%arg21 : memref<!tpu.dma_semaphore, #tpu.memory_space<semaphore_mem>>) src(%dma_wait3A_173 : memref<160xi32, #tpu.memory_space<hbm>>) dst(%arg9 : memref<160xi32, #tpu.memory_space<vmem>>)
      %dma_wait3A_174 = tpu.memref_slice %arg4[%add3A_171] : memref<320000xi32, #tpu.memory_space<hbm>> -> memref<80xi32, #tpu.memory_space<hbm>>
      %dma_wait3A_175 = tpu.memref_slice %arg4[%add3A_171] : memref<320000xi32, #tpu.memory_space<hbm>> -> memref<80xi32, #tpu.memory_space<hbm>>
      tpu.wait_dma2 semaphore(%arg21 : memref<!tpu.dma_semaphore, #tpu.memory_space<semaphore_mem>>) src(%dma_wait3A_175 : memref<80xi32, #tpu.memory_space<hbm>>) dst(%arg13 : memref<80xi32, #tpu.memory_space<vmem>>)
      %add3A_176 = arith.constant 80 : i32
      %add3A_177 = arith.addi %add3A_171, %add3A_176 : i32
      %dma_wait3A_178 = tpu.memref_slice %arg4[%add3A_177] : memref<320000xi32, #tpu.memory_space<hbm>> -> memref<80xi32, #tpu.memory_space<hbm>>
      %dma_wait3A_179 = tpu.memref_slice %arg4[%add3A_177] : memref<320000xi32, #tpu.memory_space<hbm>> -> memref<80xi32, #tpu.memory_space<hbm>>
      tpu.wait_dma2 semaphore(%arg21 : memref<!tpu.dma_semaphore, #tpu.memory_space<semaphore_mem>>) src(%dma_wait3A_179 : memref<80xi32, #tpu.memory_space<hbm>>) dst(%arg17 : memref<80xi32, #tpu.memory_space<vmem>>)
      %dma_wait3A_180 = arith.constant 0 : i32
      %dma_wait3A_181 = arith.constant 0 : i32
      %dma_wait3A_182 = tpu.memref_slice %arg23[%dma_wait3A_180, %dma_wait3A_181] : memref<160x128xf32, #tpu.memory_space<vmem>> -> memref<80x128xf32, #tpu.memory_space<vmem>>
      %dma_wait3A_183 = arith.constant 0 : i32
      %dma_wait3A_184 = arith.constant 0 : i32
      %dma_wait3A_185 = tpu.memref_slice %arg29[%dma_wait3A_183, %dma_wait3A_184] : memref<10000x128xf32, #tpu.memory_space<vmem_shared>> -> memref<10000x128xf32, #tpu.memory_space<vmem_shared>>
      tpu.wait_indirect_dma semaphore(%arg27 : memref<!tpu.dma_semaphore, #tpu.memory_space<semaphore_mem>>) src(%dma_wait3A_182 : memref<80x128xf32, #tpu.memory_space<vmem>>) dst(%dma_wait3A_185 : memref<10000x128xf32, #tpu.memory_space<vmem_shared>>)
      %dma_wait3A_186 = arith.constant 80 : i32
      %dma_wait3A_187 = arith.constant 0 : i32
      %dma_wait3A_188 = tpu.memref_slice %arg23[%dma_wait3A_186, %dma_wait3A_187] : memref<160x128xf32, #tpu.memory_space<vmem>> -> memref<80x128xf32, #tpu.memory_space<vmem>>
      %dma_wait3A_189 = arith.constant 0 : i32
      %dma_wait3A_190 = arith.constant 0 : i32
      %dma_wait3A_191 = tpu.memref_slice %arg29[%dma_wait3A_189, %dma_wait3A_190] : memref<10000x128xf32, #tpu.memory_space<vmem_shared>> -> memref<10000x128xf32, #tpu.memory_space<vmem_shared>>
      tpu.wait_indirect_dma semaphore(%arg27 : memref<!tpu.dma_semaphore, #tpu.memory_space<semaphore_mem>>) src(%dma_wait3A_188 : memref<80x128xf32, #tpu.memory_space<vmem>>) dst(%dma_wait3A_191 : memref<10000x128xf32, #tpu.memory_space<vmem_shared>>)
      %dma_start3A_192 = arith.constant 0 : i32
      %dma_start3A_193 = arith.constant 0 : i32
      %dma_start3A_194 = tpu.memref_slice %arg2[%dma_start3A_192, %dma_start3A_193] : memref<10000x128xf32, #tpu.memory_space<hbm>> -> memref<10000x128xf32, #tpu.memory_space<hbm>>
      tpu.enqueue_indirect_dma source(%dma_start3A_194 : memref<10000x128xf32, #tpu.memory_space<hbm>>) target(%arg23 : memref<160x128xf32, #tpu.memory_space<vmem>>) offsets(%arg9 : memref<160xi32, #tpu.memory_space<vmem>>) semaphore(%arg25 : memref<!tpu.dma_semaphore, #tpu.memory_space<semaphore_mem>>)
      %dma_wait3A_195 = arith.constant 0 : i32
      %dma_wait3A_196 = arith.constant 0 : i32
      %dma_wait3A_197 = tpu.memref_slice %arg2[%dma_wait3A_195, %dma_wait3A_196] : memref<10000x128xf32, #tpu.memory_space<hbm>> -> memref<10000x128xf32, #tpu.memory_space<hbm>>
      tpu.wait_indirect_dma semaphore(%arg25 : memref<!tpu.dma_semaphore, #tpu.memory_space<semaphore_mem>>) src(%dma_wait3A_197 : memref<10000x128xf32, #tpu.memory_space<hbm>>) dst(%arg23 : memref<160x128xf32, #tpu.memory_space<vmem>>)
      %dma_start3A_198 = arith.constant 0 : i32
      %dma_start3A_199 = arith.constant 0 : i32
      %dma_start3A_200 = tpu.memref_slice %arg23[%dma_start3A_198, %dma_start3A_199] : memref<160x128xf32, #tpu.memory_space<vmem>> -> memref<80x128xf32, #tpu.memory_space<vmem>>
      %dma_start3A_201 = arith.constant 0 : i32
      %dma_start3A_202 = arith.constant 0 : i32
      %dma_start3A_203 = tpu.memref_slice %arg29[%dma_start3A_201, %dma_start3A_202] : memref<10000x128xf32, #tpu.memory_space<vmem_shared>> -> memref<10000x128xf32, #tpu.memory_space<vmem_shared>>
      tpu.enqueue_indirect_dma source(%dma_start3A_200 : memref<80x128xf32, #tpu.memory_space<vmem>>) target(%dma_start3A_203 : memref<10000x128xf32, #tpu.memory_space<vmem_shared>>) offsets(%arg13 : memref<80xi32, #tpu.memory_space<vmem>>) semaphore(%arg27 : memref<!tpu.dma_semaphore, #tpu.memory_space<semaphore_mem>>) {add = true}
      %dma_start3A_204 = arith.constant 80 : i32
      %dma_start3A_205 = arith.constant 0 : i32
      %dma_start3A_206 = tpu.memref_slice %arg23[%dma_start3A_204, %dma_start3A_205] : memref<160x128xf32, #tpu.memory_space<vmem>> -> memref<80x128xf32, #tpu.memory_space<vmem>>
      %dma_start3A_207 = arith.constant 0 : i32
      %dma_start3A_208 = arith.constant 0 : i32
      %dma_start3A_209 = tpu.memref_slice %arg29[%dma_start3A_207, %dma_start3A_208] : memref<10000x128xf32, #tpu.memory_space<vmem_shared>> -> memref<10000x128xf32, #tpu.memory_space<vmem_shared>>
      tpu.enqueue_indirect_dma source(%dma_start3A_206 : memref<80x128xf32, #tpu.memory_space<vmem>>) target(%dma_start3A_209 : memref<10000x128xf32, #tpu.memory_space<vmem_shared>>) offsets(%arg17 : memref<80xi32, #tpu.memory_space<vmem>>) semaphore(%arg27 : memref<!tpu.dma_semaphore, #tpu.memory_space<semaphore_mem>>) {add = true}
      %add3A_210 = arith.constant 1 : i32
      %add3A_211 = arith.addi %while3A_65, %add3A_210 : i32
      %lt3A = arith.cmpi slt, %add3A_211, %select_n3A : i32
      %convert_element_type3A_212 = arith.extui %lt3A : i1 to i32
      %cond3A_213 = arith.constant 0 : i32
      %cond3A_214 = arith.cmpi ne, %convert_element_type3A_212, %cond3A_213 : i32
      scf.if %cond3A_214 {
        %add3A_266 = arith.constant 2 : i32
        %add3A_267 = arith.addi %add3A_168, %add3A_266 : i32
        %mul3A_268 = arith.constant 160 : i32
        %mul3A_269 = arith.muli %add3A_267, %mul3A_268 : i32
        %add3A_270 = arith.addi %mul3A_2, %mul3A_269 : i32
        %dma_start3A_271 = tpu.memref_slice %arg3[%add3A_270] : memref<320000xi32, #tpu.memory_space<hbm>> -> memref<160xi32, #tpu.memory_space<hbm>>
        %dma_start3A_272 = tpu.memref_slice %arg3[%add3A_270] : memref<320000xi32, #tpu.memory_space<hbm>> -> memref<160xi32, #tpu.memory_space<hbm>>
        tpu.enqueue_dma source(%dma_start3A_272 : memref<160xi32, #tpu.memory_space<hbm>>) target(%arg7 : memref<160xi32, #tpu.memory_space<vmem>>) target_semaphore(%arg19 : memref<!tpu.dma_semaphore, #tpu.memory_space<semaphore_mem>>)
        %dma_start3A_273 = tpu.memref_slice %arg4[%add3A_270] : memref<320000xi32, #tpu.memory_space<hbm>> -> memref<80xi32, #tpu.memory_space<hbm>>
        %dma_start3A_274 = tpu.memref_slice %arg4[%add3A_270] : memref<320000xi32, #tpu.memory_space<hbm>> -> memref<80xi32, #tpu.memory_space<hbm>>
        tpu.enqueue_dma source(%dma_start3A_274 : memref<80xi32, #tpu.memory_space<hbm>>) target(%arg11 : memref<80xi32, #tpu.memory_space<vmem>>) target_semaphore(%arg19 : memref<!tpu.dma_semaphore, #tpu.memory_space<semaphore_mem>>)
        %add3A_275 = arith.constant 80 : i32
        %add3A_276 = arith.addi %add3A_270, %add3A_275 : i32
        %dma_start3A_277 = tpu.memref_slice %arg4[%add3A_276] : memref<320000xi32, #tpu.memory_space<hbm>> -> memref<80xi32, #tpu.memory_space<hbm>>
        %dma_start3A_278 = tpu.memref_slice %arg4[%add3A_276] : memref<320000xi32, #tpu.memory_space<hbm>> -> memref<80xi32, #tpu.memory_space<hbm>>
        tpu.enqueue_dma source(%dma_start3A_278 : memref<80xi32, #tpu.memory_space<hbm>>) target(%arg15 : memref<80xi32, #tpu.memory_space<vmem>>) target_semaphore(%arg19 : memref<!tpu.dma_semaphore, #tpu.memory_space<semaphore_mem>>)
      } else {
      }
      %mul3A_215 = arith.constant 4 : i32
      %mul3A_216 = arith.muli %while3A_65, %mul3A_215 : i32
      %add3A_217 = arith.constant 3 : i32
      %add3A_218 = arith.addi %mul3A_216, %add3A_217 : i32
      %mul3A_219 = arith.constant 160 : i32
      %mul3A_220 = arith.muli %add3A_218, %mul3A_219 : i32
      %add3A_221 = arith.addi %mul3A_2, %mul3A_220 : i32
      %dma_wait3A_222 = tpu.memref_slice %arg3[%add3A_221] : memref<320000xi32, #tpu.memory_space<hbm>> -> memref<160xi32, #tpu.memory_space<hbm>>
      %dma_wait3A_223 = tpu.memref_slice %arg3[%add3A_221] : memref<320000xi32, #tpu.memory_space<hbm>> -> memref<160xi32, #tpu.memory_space<hbm>>
      tpu.wait_dma2 semaphore(%arg22 : memref<!tpu.dma_semaphore, #tpu.memory_space<semaphore_mem>>) src(%dma_wait3A_223 : memref<160xi32, #tpu.memory_space<hbm>>) dst(%arg10 : memref<160xi32, #tpu.memory_space<vmem>>)
      %dma_wait3A_224 = tpu.memref_slice %arg4[%add3A_221] : memref<320000xi32, #tpu.memory_space<hbm>> -> memref<80xi32, #tpu.memory_space<hbm>>
      %dma_wait3A_225 = tpu.memref_slice %arg4[%add3A_221] : memref<320000xi32, #tpu.memory_space<hbm>> -> memref<80xi32, #tpu.memory_space<hbm>>
      tpu.wait_dma2 semaphore(%arg22 : memref<!tpu.dma_semaphore, #tpu.memory_space<semaphore_mem>>) src(%dma_wait3A_225 : memref<80xi32, #tpu.memory_space<hbm>>) dst(%arg14 : memref<80xi32, #tpu.memory_space<vmem>>)
      %add3A_226 = arith.constant 80 : i32
      %add3A_227 = arith.addi %add3A_221, %add3A_226 : i32
      %dma_wait3A_228 = tpu.memref_slice %arg4[%add3A_227] : memref<320000xi32, #tpu.memory_space<hbm>> -> memref<80xi32, #tpu.memory_space<hbm>>
      %dma_wait3A_229 = tpu.memref_slice %arg4[%add3A_227] : memref<320000xi32, #tpu.memory_space<hbm>> -> memref<80xi32, #tpu.memory_space<hbm>>
      tpu.wait_dma2 semaphore(%arg22 : memref<!tpu.dma_semaphore, #tpu.memory_space<semaphore_mem>>) src(%dma_wait3A_229 : memref<80xi32, #tpu.memory_space<hbm>>) dst(%arg18 : memref<80xi32, #tpu.memory_space<vmem>>)
      %dma_wait3A_230 = arith.constant 0 : i32
      %dma_wait3A_231 = arith.constant 0 : i32
      %dma_wait3A_232 = tpu.memref_slice %arg24[%dma_wait3A_230, %dma_wait3A_231] : memref<160x128xf32, #tpu.memory_space<vmem>> -> memref<80x128xf32, #tpu.memory_space<vmem>>
      %dma_wait3A_233 = arith.constant 0 : i32
      %dma_wait3A_234 = arith.constant 0 : i32
      %dma_wait3A_235 = tpu.memref_slice %arg29[%dma_wait3A_233, %dma_wait3A_234] : memref<10000x128xf32, #tpu.memory_space<vmem_shared>> -> memref<10000x128xf32, #tpu.memory_space<vmem_shared>>
      tpu.wait_indirect_dma semaphore(%arg28 : memref<!tpu.dma_semaphore, #tpu.memory_space<semaphore_mem>>) src(%dma_wait3A_232 : memref<80x128xf32, #tpu.memory_space<vmem>>) dst(%dma_wait3A_235 : memref<10000x128xf32, #tpu.memory_space<vmem_shared>>)
      %dma_wait3A_236 = arith.constant 80 : i32
      %dma_wait3A_237 = arith.constant 0 : i32
      %dma_wait3A_238 = tpu.memref_slice %arg24[%dma_wait3A_236, %dma_wait3A_237] : memref<160x128xf32, #tpu.memory_space<vmem>> -> memref<80x128xf32, #tpu.memory_space<vmem>>
      %dma_wait3A_239 = arith.constant 0 : i32
      %dma_wait3A_240 = arith.constant 0 : i32
      %dma_wait3A_241 = tpu.memref_slice %arg29[%dma_wait3A_239, %dma_wait3A_240] : memref<10000x128xf32, #tpu.memory_space<vmem_shared>> -> memref<10000x128xf32, #tpu.memory_space<vmem_shared>>
      tpu.wait_indirect_dma semaphore(%arg28 : memref<!tpu.dma_semaphore, #tpu.memory_space<semaphore_mem>>) src(%dma_wait3A_238 : memref<80x128xf32, #tpu.memory_space<vmem>>) dst(%dma_wait3A_241 : memref<10000x128xf32, #tpu.memory_space<vmem_shared>>)
      %dma_start3A_242 = arith.constant 0 : i32
      %dma_start3A_243 = arith.constant 0 : i32
      %dma_start3A_244 = tpu.memref_slice %arg2[%dma_start3A_242, %dma_start3A_243] : memref<10000x128xf32, #tpu.memory_space<hbm>> -> memref<10000x128xf32, #tpu.memory_space<hbm>>
      tpu.enqueue_indirect_dma source(%dma_start3A_244 : memref<10000x128xf32, #tpu.memory_space<hbm>>) target(%arg24 : memref<160x128xf32, #tpu.memory_space<vmem>>) offsets(%arg10 : memref<160xi32, #tpu.memory_space<vmem>>) semaphore(%arg26 : memref<!tpu.dma_semaphore, #tpu.memory_space<semaphore_mem>>)
      %dma_wait3A_245 = arith.constant 0 : i32
      %dma_wait3A_246 = arith.constant 0 : i32
      %dma_wait3A_247 = tpu.memref_slice %arg2[%dma_wait3A_245, %dma_wait3A_246] : memref<10000x128xf32, #tpu.memory_space<hbm>> -> memref<10000x128xf32, #tpu.memory_space<hbm>>
      tpu.wait_indirect_dma semaphore(%arg26 : memref<!tpu.dma_semaphore, #tpu.memory_space<semaphore_mem>>) src(%dma_wait3A_247 : memref<10000x128xf32, #tpu.memory_space<hbm>>) dst(%arg24 : memref<160x128xf32, #tpu.memory_space<vmem>>)
      %dma_start3A_248 = arith.constant 0 : i32
      %dma_start3A_249 = arith.constant 0 : i32
      %dma_start3A_250 = tpu.memref_slice %arg24[%dma_start3A_248, %dma_start3A_249] : memref<160x128xf32, #tpu.memory_space<vmem>> -> memref<80x128xf32, #tpu.memory_space<vmem>>
      %dma_start3A_251 = arith.constant 0 : i32
      %dma_start3A_252 = arith.constant 0 : i32
      %dma_start3A_253 = tpu.memref_slice %arg29[%dma_start3A_251, %dma_start3A_252] : memref<10000x128xf32, #tpu.memory_space<vmem_shared>> -> memref<10000x128xf32, #tpu.memory_space<vmem_shared>>
      tpu.enqueue_indirect_dma source(%dma_start3A_250 : memref<80x128xf32, #tpu.memory_space<vmem>>) target(%dma_start3A_253 : memref<10000x128xf32, #tpu.memory_space<vmem_shared>>) offsets(%arg14 : memref<80xi32, #tpu.memory_space<vmem>>) semaphore(%arg28 : memref<!tpu.dma_semaphore, #tpu.memory_space<semaphore_mem>>) {add = true}
      %dma_start3A_254 = arith.constant 80 : i32
      %dma_start3A_255 = arith.constant 0 : i32
      %dma_start3A_256 = tpu.memref_slice %arg24[%dma_start3A_254, %dma_start3A_255] : memref<160x128xf32, #tpu.memory_space<vmem>> -> memref<80x128xf32, #tpu.memory_space<vmem>>
      %dma_start3A_257 = arith.constant 0 : i32
      %dma_start3A_258 = arith.constant 0 : i32
      %dma_start3A_259 = tpu.memref_slice %arg29[%dma_start3A_257, %dma_start3A_258] : memref<10000x128xf32, #tpu.memory_space<vmem_shared>> -> memref<10000x128xf32, #tpu.memory_space<vmem_shared>>
      tpu.enqueue_indirect_dma source(%dma_start3A_256 : memref<80x128xf32, #tpu.memory_space<vmem>>) target(%dma_start3A_259 : memref<10000x128xf32, #tpu.memory_space<vmem_shared>>) offsets(%arg18 : memref<80xi32, #tpu.memory_space<vmem>>) semaphore(%arg28 : memref<!tpu.dma_semaphore, #tpu.memory_space<semaphore_mem>>) {add = true}
      %add3A_260 = arith.constant 1 : i32
      %add3A_261 = arith.addi %while3A_65, %add3A_260 : i32
      %lt3A_262 = arith.cmpi slt, %add3A_261, %select_n3A : i32
      %convert_element_type3A_263 = arith.extui %lt3A_262 : i1 to i32
      %cond3A_264 = arith.constant 0 : i32
      %cond3A_265 = arith.cmpi ne, %convert_element_type3A_263, %cond3A_264 : i32
      scf.if %cond3A_265 {
        %add3A_266 = arith.constant 2 : i32
        %add3A_267 = arith.addi %add3A_218, %add3A_266 : i32
        %mul3A_268 = arith.constant 160 : i32
        %mul3A_269 = arith.muli %add3A_267, %mul3A_268 : i32
        %add3A_270 = arith.addi %mul3A_2, %mul3A_269 : i32
        %dma_start3A_271 = tpu.memref_slice %arg3[%add3A_270] : memref<320000xi32, #tpu.memory_space<hbm>> -> memref<160xi32, #tpu.memory_space<hbm>>
        %dma_start3A_272 = tpu.memref_slice %arg3[%add3A_270] : memref<320000xi32, #tpu.memory_space<hbm>> -> memref<160xi32, #tpu.memory_space<hbm>>
        tpu.enqueue_dma source(%dma_start3A_272 : memref<160xi32, #tpu.memory_space<hbm>>) target(%arg8 : memref<160xi32, #tpu.memory_space<vmem>>) target_semaphore(%arg20 : memref<!tpu.dma_semaphore, #tpu.memory_space<semaphore_mem>>)
        %dma_start3A_273 = tpu.memref_slice %arg4[%add3A_270] : memref<320000xi32, #tpu.memory_space<hbm>> -> memref<80xi32, #tpu.memory_space<hbm>>
        %dma_start3A_274 = tpu.memref_slice %arg4[%add3A_270] : memref<320000xi32, #tpu.memory_space<hbm>> -> memref<80xi32, #tpu.memory_space<hbm>>
        tpu.enqueue_dma source(%dma_start3A_274 : memref<80xi32, #tpu.memory_space<hbm>>) target(%arg12 : memref<80xi32, #tpu.memory_space<vmem>>) target_semaphore(%arg20 : memref<!tpu.dma_semaphore, #tpu.memory_space<semaphore_mem>>)
        %add3A_275 = arith.constant 80 : i32
        %add3A_276 = arith.addi %add3A_270, %add3A_275 : i32
        %dma_start3A_277 = tpu.memref_slice %arg4[%add3A_276] : memref<320000xi32, #tpu.memory_space<hbm>> -> memref<80xi32, #tpu.memory_space<hbm>>
        %dma_start3A_278 = tpu.memref_slice %arg4[%add3A_276] : memref<320000xi32, #tpu.memory_space<hbm>> -> memref<80xi32, #tpu.memory_space<hbm>>
        tpu.enqueue_dma source(%dma_start3A_278 : memref<80xi32, #tpu.memory_space<hbm>>) target(%arg16 : memref<80xi32, #tpu.memory_space<vmem>>) target_semaphore(%arg20 : memref<!tpu.dma_semaphore, #tpu.memory_space<semaphore_mem>>)
      } else {
      }
    }
    %dma_wait3A = arith.constant 0 : i32
    %dma_wait3A_34 = arith.constant 0 : i32
    %dma_wait3A_35 = tpu.memref_slice %arg23[%dma_wait3A, %dma_wait3A_34] : memref<160x128xf32, #tpu.memory_space<vmem>> -> memref<80x128xf32, #tpu.memory_space<vmem>>
    %dma_wait3A_36 = arith.constant 0 : i32
    %dma_wait3A_37 = arith.constant 0 : i32
    %dma_wait3A_38 = tpu.memref_slice %arg29[%dma_wait3A_36, %dma_wait3A_37] : memref<10000x128xf32, #tpu.memory_space<vmem_shared>> -> memref<10000x128xf32, #tpu.memory_space<vmem_shared>>
    tpu.wait_indirect_dma semaphore(%arg27 : memref<!tpu.dma_semaphore, #tpu.memory_space<semaphore_mem>>) src(%dma_wait3A_35 : memref<80x128xf32, #tpu.memory_space<vmem>>) dst(%dma_wait3A_38 : memref<10000x128xf32, #tpu.memory_space<vmem_shared>>)
    %dma_wait3A_39 = arith.constant 80 : i32
    %dma_wait3A_40 = arith.constant 0 : i32
    %dma_wait3A_41 = tpu.memref_slice %arg23[%dma_wait3A_39, %dma_wait3A_40] : memref<160x128xf32, #tpu.memory_space<vmem>> -> memref<80x128xf32, #tpu.memory_space<vmem>>
    %dma_wait3A_42 = arith.constant 0 : i32
    %dma_wait3A_43 = arith.constant 0 : i32
    %dma_wait3A_44 = tpu.memref_slice %arg29[%dma_wait3A_42, %dma_wait3A_43] : memref<10000x128xf32, #tpu.memory_space<vmem_shared>> -> memref<10000x128xf32, #tpu.memory_space<vmem_shared>>
    tpu.wait_indirect_dma semaphore(%arg27 : memref<!tpu.dma_semaphore, #tpu.memory_space<semaphore_mem>>) src(%dma_wait3A_41 : memref<80x128xf32, #tpu.memory_space<vmem>>) dst(%dma_wait3A_44 : memref<10000x128xf32, #tpu.memory_space<vmem_shared>>)
    %dma_wait3A_45 = arith.constant 0 : i32
    %dma_wait3A_46 = arith.constant 0 : i32
    %dma_wait3A_47 = tpu.memref_slice %arg24[%dma_wait3A_45, %dma_wait3A_46] : memref<160x128xf32, #tpu.memory_space<vmem>> -> memref<80x128xf32, #tpu.memory_space<vmem>>
    %dma_wait3A_48 = arith.constant 0 : i32
    %dma_wait3A_49 = arith.constant 0 : i32
    %dma_wait3A_50 = tpu.memref_slice %arg29[%dma_wait3A_48, %dma_wait3A_49] : memref<10000x128xf32, #tpu.memory_space<vmem_shared>> -> memref<10000x128xf32, #tpu.memory_space<vmem_shared>>
    tpu.wait_indirect_dma semaphore(%arg28 : memref<!tpu.dma_semaphore, #tpu.memory_space<semaphore_mem>>) src(%dma_wait3A_47 : memref<80x128xf32, #tpu.memory_space<vmem>>) dst(%dma_wait3A_50 : memref<10000x128xf32, #tpu.memory_space<vmem_shared>>)
    %dma_wait3A_51 = arith.constant 80 : i32
    %dma_wait3A_52 = arith.constant 0 : i32
    %dma_wait3A_53 = tpu.memref_slice %arg24[%dma_wait3A_51, %dma_wait3A_52] : memref<160x128xf32, #tpu.memory_space<vmem>> -> memref<80x128xf32, #tpu.memory_space<vmem>>
    %dma_wait3A_54 = arith.constant 0 : i32
    %dma_wait3A_55 = arith.constant 0 : i32
    %dma_wait3A_56 = tpu.memref_slice %arg29[%dma_wait3A_54, %dma_wait3A_55] : memref<10000x128xf32, #tpu.memory_space<vmem_shared>> -> memref<10000x128xf32, #tpu.memory_space<vmem_shared>>
    tpu.wait_indirect_dma semaphore(%arg28 : memref<!tpu.dma_semaphore, #tpu.memory_space<semaphore_mem>>) src(%dma_wait3A_53 : memref<80x128xf32, #tpu.memory_space<vmem>>) dst(%dma_wait3A_56 : memref<10000x128xf32, #tpu.memory_space<vmem_shared>>)
    %barrier3A_57 = arith.constant 0 : index
    tpu.barrier barrier_id(%barrier3A_57)
    %mul3A_58 = arith.constant 624 : i32
    %mul3A_59 = arith.muli %arg1, %mul3A_58 : i32
    %mul3A_60 = arith.constant 10000 : i32
    %mul3A_61 = arith.muli %arg0, %mul3A_60 : i32
    %mul3A_62 = arith.constant 624 : i32
    %mul3A_63 = arith.muli %arg1, %mul3A_62 : i32
    %add3A_64 = arith.addi %mul3A_61, %mul3A_63 : i32
    "tpu.region"() ({
      %run_scoped3A = tpu.sem_alloc : memref<!tpu.dma_semaphore, #tpu.memory_space<semaphore_mem>>
      %dma_start3A_65 = arith.constant 0 : i32
      %dma_start3A_66 = tpu.memref_slice %arg6[%add3A_64, %dma_start3A_65] : memref<20000x128xf32, #tpu.memory_space<hbm>> -> memref<640x128xf32, #tpu.memory_space<hbm>>
      %dma_start3A_67 = arith.constant 0 : i32
      %dma_start3A_68 = tpu.memref_slice %arg29[%mul3A_59, %dma_start3A_67] : memref<10000x128xf32, #tpu.memory_space<vmem_shared>> -> memref<640x128xf32, #tpu.memory_space<vmem_shared>>
      tpu.enqueue_dma source(%dma_start3A_68 : memref<640x128xf32, #tpu.memory_space<vmem_shared>>) target(%dma_start3A_66 : memref<640x128xf32, #tpu.memory_space<hbm>>) target_semaphore(%run_scoped3A : memref<!tpu.dma_semaphore, #tpu.memory_space<semaphore_mem>>)
      %dma_wait3A_69 = arith.constant 0 : i32
      %dma_wait3A_70 = tpu.memref_slice %arg6[%add3A_64, %dma_wait3A_69] : memref<20000x128xf32, #tpu.memory_space<hbm>> -> memref<640x128xf32, #tpu.memory_space<hbm>>
      %dma_wait3A_71 = arith.constant 0 : i32
      %dma_wait3A_72 = tpu.memref_slice %arg29[%mul3A_59, %dma_wait3A_71] : memref<10000x128xf32, #tpu.memory_space<vmem_shared>> -> memref<640x128xf32, #tpu.memory_space<vmem_shared>>
      tpu.wait_dma2 semaphore(%run_scoped3A : memref<!tpu.dma_semaphore, #tpu.memory_space<semaphore_mem>>) src(%dma_wait3A_72 : memref<640x128xf32, #tpu.memory_space<vmem_shared>>) dst(%dma_wait3A_70 : memref<640x128xf32, #tpu.memory_space<hbm>>)
      tpu.yield
    }) : () -> ()
    return
  }
}

#map = affine_map<(d0, d1) -> (0)>
module attributes {stable_mosaic.version = 14 : i64} {
  func.func @_deg_body(%arg0: i32, %arg1: i32, %arg2: memref<320000xi32, #tpu.memory_space<hbm>>, %arg3: memref<320000xi32, #tpu.memory_space<hbm>>, %arg4: memref<10000xi32, #tpu.memory_space<vmem>>, %arg5: memref<10000xi32, #tpu.memory_space<vmem>>) attributes {dimension_semantics = [#tpu.dimension_semantics<core_parallel>, #tpu.dimension_semantics<subcore_parallel>], iteration_bounds = array<i64: 2, 16>, scalar_prefetch = 0 : i64, scratch_operands = 2 : i64, tpu.core_type = #tpu.core_type<sc_vector_subcore>, window_params = [{transform_indices = #map}, {transform_indices = #map}]} {
    %mul3A = arith.constant 16 : i32
    %mul3A_0 = arith.muli %arg0, %mul3A : i32
    %add3A = arith.addi %mul3A_0, %arg1 : i32
    %mul3A_1 = arith.constant 10000 : i32
    %mul3A_2 = arith.muli %add3A, %mul3A_1 : i32
    "tpu.region"() ({
      %run_scoped3A = tpu.sem_alloc : memref<!tpu.dma_semaphore, #tpu.memory_space<semaphore_mem>>
      %dma_start3A = tpu.memref_slice %arg2[%mul3A_2] : memref<320000xi32, #tpu.memory_space<hbm>> -> memref<10000xi32, #tpu.memory_space<hbm>>
      %dma_start3A_15 = tpu.memref_slice %arg2[%mul3A_2] : memref<320000xi32, #tpu.memory_space<hbm>> -> memref<10000xi32, #tpu.memory_space<hbm>>
      tpu.enqueue_dma source(%dma_start3A_15 : memref<10000xi32, #tpu.memory_space<hbm>>) target(%arg4 : memref<10000xi32, #tpu.memory_space<vmem>>) target_semaphore(%run_scoped3A : memref<!tpu.dma_semaphore, #tpu.memory_space<semaphore_mem>>)
      %dma_wait3A = tpu.memref_slice %arg2[%mul3A_2] : memref<320000xi32, #tpu.memory_space<hbm>> -> memref<10000xi32, #tpu.memory_space<hbm>>
      %dma_wait3A_16 = tpu.memref_slice %arg2[%mul3A_2] : memref<320000xi32, #tpu.memory_space<hbm>> -> memref<10000xi32, #tpu.memory_space<hbm>>
      tpu.wait_dma2 semaphore(%run_scoped3A : memref<!tpu.dma_semaphore, #tpu.memory_space<semaphore_mem>>) src(%dma_wait3A_16 : memref<10000xi32, #tpu.memory_space<hbm>>) dst(%arg4 : memref<10000xi32, #tpu.memory_space<vmem>>)
      tpu.yield
    }) : () -> ()
    %scan3A = arith.constant 0 : i32
    %scan3A_3 = arith.constant 625 : i32
    %scan3A_4 = arith.addi %scan3A, %scan3A_3 : i32
    %scan3A_5 = arith.constant 1 : i32
    scf.for %scan3A_15 = %scan3A to %scan3A_4 step %scan3A_5  : i32 {
      %broadcast_in_dim3A_16 = arith.constant 0 : i32
      %broadcast_in_dim3A_17 = vector.broadcast %broadcast_in_dim3A_16 : i32 to vector<16xi32>
      %mul3A_18 = arith.constant 16 : i32
      %mul3A_19 = arith.muli %scan3A_15, %mul3A_18 : i32
      %swap3A = arith.index_cast %mul3A_19 : i32 to index
      %swap3A_20 = tpu.vector_load %arg5[%swap3A] {strides = array<i32>} : memref<10000xi32, #tpu.memory_space<vmem>>, vector<16xi32>,
      tpu.vector_store %arg5[%swap3A], %broadcast_in_dim3A_17 {strides = array<i32>} : memref<10000xi32, #tpu.memory_space<vmem>>, vector<16xi32>,
    }
    %scan3A_6 = arith.constant 625 : i32
    %broadcast_in_dim3A = arith.constant 1 : i32
    %broadcast_in_dim3A_7 = vector.broadcast %broadcast_in_dim3A : i32 to vector<16xi32>
    %scan3A_8 = arith.constant 0 : i32
    %scan3A_9 = arith.constant 625 : i32
    %scan3A_10 = arith.addi %scan3A_8, %scan3A_9 : i32
    %scan3A_11 = arith.constant 1 : i32
    scf.for %scan3A_15 = %scan3A_8 to %scan3A_10 step %scan3A_11  : i32 {
      %mul3A_16 = arith.constant 16 : i32
      %mul3A_17 = arith.muli %scan3A_15, %mul3A_16 : i32
      %get3A = arith.index_cast %mul3A_17 : i32 to index
      %get3A_18 = tpu.vector_load %arg4[%get3A] {strides = array<i32>} : memref<10000xi32, #tpu.memory_space<vmem>>, vector<16xi32>,
      tpu.vector_store_idx %arg5[%get3A_18], %broadcast_in_dim3A_7 {add = true} : memref<10000xi32, #tpu.memory_space<vmem>>[vector<16xi32>], vector<16xi32>,
    }
    %scan3A_12 = arith.constant 625 : i32
    %mul3A_13 = arith.constant 10000 : i32
    %mul3A_14 = arith.muli %add3A, %mul3A_13 : i32
    "tpu.region"() ({
      %run_scoped3A = tpu.sem_alloc : memref<!tpu.dma_semaphore, #tpu.memory_space<semaphore_mem>>
      %dma_start3A = tpu.memref_slice %arg3[%mul3A_14] : memref<320000xi32, #tpu.memory_space<hbm>> -> memref<10000xi32, #tpu.memory_space<hbm>>
      %dma_start3A_15 = tpu.memref_slice %arg3[%mul3A_14] : memref<320000xi32, #tpu.memory_space<hbm>> -> memref<10000xi32, #tpu.memory_space<hbm>>
      tpu.enqueue_dma source(%arg5 : memref<10000xi32, #tpu.memory_space<vmem>>) target(%dma_start3A_15 : memref<10000xi32, #tpu.memory_space<hbm>>) target_semaphore(%run_scoped3A : memref<!tpu.dma_semaphore, #tpu.memory_space<semaphore_mem>>)
      %dma_wait3A = tpu.memref_slice %arg3[%mul3A_14] : memref<320000xi32, #tpu.memory_space<hbm>> -> memref<10000xi32, #tpu.memory_space<hbm>>
      %dma_wait3A_16 = tpu.memref_slice %arg3[%mul3A_14] : memref<320000xi32, #tpu.memory_space<hbm>> -> memref<10000xi32, #tpu.memory_space<hbm>>
      tpu.wait_dma2 semaphore(%run_scoped3A : memref<!tpu.dma_semaphore, #tpu.memory_space<semaphore_mem>>) src(%arg5 : memref<10000xi32, #tpu.memory_space<vmem>>) dst(%dma_wait3A_16 : memref<10000xi32, #tpu.memory_space<hbm>>)
      tpu.yield
    }) : () -> ()
    return
  }
}

module attributes {stable_mosaic.version = 14 : i64} {
  func.func @_scale_body(%arg0: i32, %arg1: memref<2000x32xi32, #tpu.memory_space<vmem>>, %arg2: memref<2000x128xf32, #tpu.memory_space<vmem>>, %arg3: memref<2000x128xf32, #tpu.memory_space<vmem>>) attributes {dimension_semantics = [#tpu.dimension_semantics<arbitrary>], iteration_bounds = array<i64: 5>, scalar_prefetch = 0 : i64, scratch_operands = 0 : i64, tpu.core_type = #tpu.core_type<tc>, window_params = [{transform_indices = @transform_0, window_bounds = array<i64: 2000, 32>}, {transform_indices = @transform_1, window_bounds = array<i64: 2000, 128>}, {transform_indices = @transform_2, window_bounds = array<i64: 2000, 128>}]} {
    %get3A = arith.constant 0 : index
    %get3A_0 = arith.constant 0 : index
    %get3A_1 = vector.load %arg1[%get3A, %get3A_0] : memref<2000x32xi32, #tpu.memory_space<vmem>>, vector<2000x32xi32>
    %reduce_sum3A = arith.constant dense<0> : vector<2000xi32>
    %reduce_sum3A_2 = vector.multi_reduction <add>, %get3A_1, %reduce_sum3A [1] : vector<2000x32xi32> to vector<2000xi32>
    %broadcast_in_dim3A = vector.shape_cast %reduce_sum3A_2 : vector<2000xi32> to vector<2000x1xi32>
    %convert_element_type3A = arith.sitofp %broadcast_in_dim3A : vector<2000x1xi32> to vector<2000x1xf32>
    %gt3A = arith.constant 0 : i32
    %gt3A_3 = vector.broadcast %gt3A : i32 to vector<2000x1xi32>
    %gt3A_4 = arith.cmpi sgt, %broadcast_in_dim3A, %gt3A_3 : vector<2000x1xi32>
    %rsqrt3A = math.rsqrt %convert_element_type3A : vector<2000x1xf32>
    %jit3A = arith.constant 0.000000e+00 : f32
    %broadcast_in_dim3A_5 = vector.broadcast %jit3A : f32 to vector<2000x1xf32>
    %select_n3A = arith.select %gt3A_4, %rsqrt3A, %broadcast_in_dim3A_5 : vector<2000x1xi1>, vector<2000x1xf32>
    %get3A_6 = arith.constant 0 : index
    %get3A_7 = arith.constant 0 : index
    %get3A_8 = vector.load %arg2[%get3A_6, %get3A_7] : memref<2000x128xf32, #tpu.memory_space<vmem>>, vector<2000x128xf32>
    %mul3A = vector.broadcast %select_n3A : vector<2000x1xf32> to vector<2000x128xf32>
    %mul3A_9 = arith.mulf %get3A_8, %mul3A : vector<2000x128xf32>
    %swap3A = arith.constant 0 : index
    %swap3A_10 = arith.constant 0 : index
    %swap3A_11 = vector.load %arg3[%swap3A, %swap3A_10] : memref<2000x128xf32, #tpu.memory_space<vmem>>, vector<2000x128xf32>
    tpu.vector_store %arg3[%swap3A, %swap3A_10], %mul3A_9 {strides = array<i32>} : memref<2000x128xf32, #tpu.memory_space<vmem>>, vector<2000x128xf32>,
    return
  }
  func.func @transform_0(%arg0: i32) -> (i32, i32) {
    %c0_i32 = arith.constant 0 : i32
    %c0_i32_0 = arith.constant 0 : i32
    return %arg0, %c0_i32 : i32, i32
  }
  func.func @transform_1(%arg0: i32) -> (i32, i32) {
    %c0_i32 = arith.constant 0 : i32
    %c0_i32_0 = arith.constant 0 : i32
    return %arg0, %c0_i32 : i32, i32
  }
  func.func @transform_2(%arg0: i32) -> (i32, i32) {
    %c0_i32 = arith.constant 0 : i32
    %c0_i32_0 = arith.constant 0 : i32
    return %arg0, %c0_i32 : i32, i32
  }
}

module attributes {stable_mosaic.version = 14 : i64} {
  func.func @_final_body(%arg0: i32, %arg1: memref<2000x32xi32, #tpu.memory_space<vmem>>, %arg2: memref<2000x128xf32, #tpu.memory_space<vmem>>, %arg3: memref<2000x128xf32, #tpu.memory_space<vmem>>, %arg4: memref<2000x128xf32, #tpu.memory_space<vmem>>, %arg5: memref<256x128xf32, #tpu.memory_space<vmem>>, %arg6: memref<2000x128xf32, #tpu.memory_space<vmem>>) attributes {dimension_semantics = [#tpu.dimension_semantics<arbitrary>], iteration_bounds = array<i64: 5>, scalar_prefetch = 0 : i64, scratch_operands = 0 : i64, tpu.core_type = #tpu.core_type<tc>, window_params = [{transform_indices = @transform_0, window_bounds = array<i64: 2000, 32>}, {transform_indices = @transform_1, window_bounds = array<i64: 2000, 128>}, {transform_indices = @transform_2, window_bounds = array<i64: 2000, 128>}, {transform_indices = @transform_3, window_bounds = array<i64: 2000, 128>}, {pipeline_mode = #tpu.pipeline_mode<synchronous>, transform_indices = @transform_4, window_bounds = array<i64: 256, 128>}, {transform_indices = @transform_5, window_bounds = array<i64: 2000, 128>}]} {
    %get3A = arith.constant 0 : index
    %get3A_0 = arith.constant 0 : index
    %get3A_1 = vector.load %arg1[%get3A, %get3A_0] : memref<2000x32xi32, #tpu.memory_space<vmem>>, vector<2000x32xi32>
    %reduce_sum3A = arith.constant dense<0> : vector<2000xi32>
    %reduce_sum3A_2 = vector.multi_reduction <add>, %get3A_1, %reduce_sum3A [1] : vector<2000x32xi32> to vector<2000xi32>
    %broadcast_in_dim3A = vector.shape_cast %reduce_sum3A_2 : vector<2000xi32> to vector<2000x1xi32>
    %convert_element_type3A = arith.sitofp %broadcast_in_dim3A : vector<2000x1xi32> to vector<2000x1xf32>
    %gt3A = arith.constant 0 : i32
    %gt3A_3 = vector.broadcast %gt3A : i32 to vector<2000x1xi32>
    %gt3A_4 = arith.cmpi sgt, %broadcast_in_dim3A, %gt3A_3 : vector<2000x1xi32>
    %rsqrt3A = math.rsqrt %convert_element_type3A : vector<2000x1xf32>
    %jit3A = arith.constant 0.000000e+00 : f32
    %broadcast_in_dim3A_5 = vector.broadcast %jit3A : f32 to vector<2000x1xf32>
    %select_n3A = arith.select %gt3A_4, %rsqrt3A, %broadcast_in_dim3A_5 : vector<2000x1xi1>, vector<2000x1xf32>
    %get3A_6 = arith.constant 0 : index
    %get3A_7 = arith.constant 0 : index
    %get3A_8 = vector.load %arg2[%get3A_6, %get3A_7] : memref<2000x128xf32, #tpu.memory_space<vmem>>, vector<2000x128xf32>
    %get3A_9 = arith.constant 0 : index
    %get3A_10 = arith.constant 0 : index
    %get3A_11 = vector.load %arg3[%get3A_9, %get3A_10] : memref<2000x128xf32, #tpu.memory_space<vmem>>, vector<2000x128xf32>
    %add3A = arith.addf %get3A_8, %get3A_11 : vector<2000x128xf32>
    %mul3A = vector.broadcast %select_n3A : vector<2000x1xf32> to vector<2000x128xf32>
    %mul3A_12 = arith.mulf %add3A, %mul3A : vector<2000x128xf32>
    %get3A_13 = arith.constant 0 : index
    %get3A_14 = arith.constant 0 : index
    %get3A_15 = vector.load %arg4[%get3A_13, %get3A_14] : memref<2000x128xf32, #tpu.memory_space<vmem>>, vector<2000x128xf32>
    %get3A_16 = arith.constant 0 : index
    %get3A_17 = arith.constant 0 : index
    %get3A_18 = vector.load %arg5[%get3A_16, %get3A_17] : memref<256x128xf32, #tpu.memory_space<vmem>>, vector<256x128xf32>
    %slice3A = vector.extract_strided_slice %get3A_18 {offsets = [0, 0], sizes = [128, 128], strides = [1, 1]} : vector<256x128xf32> to vector<128x128xf32>
    %dot_general3A = arith.constant dense<0.000000e+00> : vector<2000x128xf32>
    %dot_general3A_19 = tpu.matmul %mul3A_12, %slice3A, %dot_general3A {dimension_numbers = #tpu.dot_dimension_numbers<[1], [0], [0], [1], [0, 0, 1, 1], [], []>, transpose_lhs_hint = false} : vector<2000x128xf32>, vector<128x128xf32>, vector<2000x128xf32> -> vector<2000x128xf32>
    %slice3A_20 = vector.extract_strided_slice %get3A_18 {offsets = [128, 0], sizes = [128, 128], strides = [1, 1]} : vector<256x128xf32> to vector<128x128xf32>
    %dot_general3A_21 = arith.constant dense<0.000000e+00> : vector<2000x128xf32>
    %dot_general3A_22 = tpu.matmul %get3A_15, %slice3A_20, %dot_general3A_21 {dimension_numbers = #tpu.dot_dimension_numbers<[1], [0], [0], [1], [0, 0, 1, 1], [], []>, transpose_lhs_hint = false} : vector<2000x128xf32>, vector<128x128xf32>, vector<2000x128xf32> -> vector<2000x128xf32>
    %add3A_23 = arith.addf %dot_general3A_19, %dot_general3A_22 : vector<2000x128xf32>
    %add3A_24 = arith.addf %add3A_23, %get3A_15 : vector<2000x128xf32>
    %swap3A = arith.constant 0 : index
    %swap3A_25 = arith.constant 0 : index
    %swap3A_26 = vector.load %arg6[%swap3A, %swap3A_25] : memref<2000x128xf32, #tpu.memory_space<vmem>>, vector<2000x128xf32>
    tpu.vector_store %arg6[%swap3A, %swap3A_25], %add3A_24 {strides = array<i32>} : memref<2000x128xf32, #tpu.memory_space<vmem>>, vector<2000x128xf32>,
    return
  }
  func.func @transform_0(%arg0: i32) -> (i32, i32) {
    %c0_i32 = arith.constant 0 : i32
    %c0_i32_0 = arith.constant 0 : i32
    return %arg0, %c0_i32 : i32, i32
  }
  func.func @transform_1(%arg0: i32) -> (i32, i32) {
    %c0_i32 = arith.constant 0 : i32
    %c0_i32_0 = arith.constant 0 : i32
    return %arg0, %c0_i32 : i32, i32
  }
  func.func @transform_2(%arg0: i32) -> (i32, i32) {
    %add3A = arith.constant 5 : i32
    %add3A_0 = arith.addi %arg0, %add3A : i32
    %c0_i32 = arith.constant 0 : i32
    %c0_i32_1 = arith.constant 0 : i32
    return %add3A_0, %c0_i32 : i32, i32
  }
  func.func @transform_3(%arg0: i32) -> (i32, i32) {
    %c0_i32 = arith.constant 0 : i32
    %c0_i32_0 = arith.constant 0 : i32
    return %arg0, %c0_i32 : i32, i32
  }
  func.func @transform_4(%arg0: i32) -> (i32, i32) {
    %c0_i32 = arith.constant 0 : i32
    %c0_i32_0 = arith.constant 0 : i32
    %c0_i32_1 = arith.constant 0 : i32
    return %c0_i32, %c0_i32_0 : i32, i32
  }
  func.func @transform_5(%arg0: i32) -> (i32, i32) {
    %c0_i32 = arith.constant 0 : i32
    %c0_i32_0 = arith.constant 0 : i32
    return %arg0, %c0_i32 : i32, i32
  }
}

</mosaic_0001>

<sc_bundles>
// kernel: kernel.6.cloned.1.call-start
scs
__scs_entry_jumppad:
0x0: {  	(pc) =	sbr.rel $0x88, $3  }
0x1: {  	(tag) =	ssettag $0x0;
	lr =	simm.s32 $0x1  }
0x2: {  	[smem:$0x3F9E] =	sst lr;
	_ =	strace $0xD0000000  }
0x3: {  	_ = 	snop  }
0x4: {  	_ = 	snop  }
0x5: {  	_ = 	snop  }
0x6: {  	_ = 	snop  }
0x7: {  	_ = 	snop  }
__scs_overlays_trampoline_lowered:
0x8: {  	[smem:$0x3FAD] =	sst s0  }
0x9: {  	[smem:$0x3FAE] =	sst s1  }
0xa: {  	[smem:$0x3FAF] =	sst s2  }
0xb: {  	[smem:$0x3FB0] =	sst s3  }
0xc: {  	[smem:$0x3FB1] =	sst s4  }
0xd: {  	[smem:$0x3FB2] =	sst s5  }
0xe: {  	[smem:$0x3FB3] =	sst s6  }
0xf: {  	[smem:$0x3FB4] =	sst s7  }
0x10: {  	[smem:$0x3FB5] =	sst s8  }
0x11: {  	[smem:$0x3FB6] =	sst s9;
	s0 =	simm.s32 @!p0 $0x0  }
0x12: {  	s1 =	sld [smem:$0x3F9C];
	s0 =	simm.s32 @p0 $0x1  }
0x13: {  	[smem:$0x3FB7] =	sst s0;
	s0 =	simm.s32 @!p1 $0x0  }
0x14: {  	s2 =	sld [smem:$0x3F9B];
	s0 =	simm.s32 @p1 $0x1  }
0x15: {  	[smem:$0x3FB8] =	sst s0;
	s0 =	simm.s32 @!p2 $0x0  }
0x16: {  	s3 =	sld [smem:$0x3FDB];
	s0 =	simm.s32 @p2 $0x1  }
0x17: {  	s4 =	simm.s32 $0x1BF5;
	[smem:$0x3FBA] =	sst s0  }
0x18: {  	s0 =	sld [smem:$0x3F9D];
	_ =	swait.ge [sflag:s4], $0x0  }
0x19: {  	s7 =	sld [smem:$0x3F9E]  }
0x1a: {  	s8 =	sadd.s32 $0xFFFFE003, lr  }
0x1b: {  	s9 =	sadd.s32 $0xFFFFFEF7, lr;
	s5 =	simm.s32 $0xFFFFFFFF;
	p2 =	slt.u32 s8, $0xFFFFF086  }
0x1c: {  	p1 =	slt.u32 s9, $0xF7A;
	s5 =	simm.s32 @!p2 $0x0  }
0x1d: {  	s5 =	simm.s32 @p1 $0x1;
	p0 =	seq.s32 s7, s2  }
0x1e: {  	s7 =	smul.u32 @!p0 $0xF7A, s2;
	p2 =	seq.s32 @!p0 s5, $0x0  }
0x1f: {  	s9 =	smul.u32 $0xF7A, s1;
	s8 =	simm.s32 @!p0 $0x1BF5;
	p2 =	por !p2, p0  }
0x20: {  	[sflag:s8] =	ssyncset.s32 @!p0 $0xFFFFF086;
	s6 =	sadd.s32 @!p0 s3, s7;
	s7 =	simm.s32 @!p0 $0x108  }
0x21: {  	s3 =	sadd.s32 s3, s9;
	s6 =	sadd.s32 @!p0 $0x88, s6;
	s7 =	simm.s32 @p2 $0x1082  }
0x22: {  	[simem:s7], [sflag:s8] =	dma.local @!p0 [hbm:s6], $0xF7A  }
0x23: {  	s9 =	sor.u32 $0xD0000000, s2;
	s6 =	simm.s32 $0x108;
	_ =	swait.ge @!p0 [sflag:s8], $0x0  }
0x24: {  	s3 =	sadd.s32 $0x88, s3;
	s6 =	simm.s32 @!p1 $0x1082;
	[sflag:s4] =	ssyncset.s32 $0xFFFFF086  }
0x25: {  	[simem:s6], [sflag:s4] =	dma.local [hbm:s3], $0xF7A  }
0x26: {  	[smem:$0x3F9E] =	sst s1;
	(tag) =	ssettag s2;
	_ =	strace s9  }
0x27: {  	s1 =	sld [smem:$0x3FAE]  }
0x28: {  	s2 =	sld [smem:$0x3FAF]  }
0x29: {  	s4 =	sld [smem:$0x3FB1]  }
0x2a: {  	p0 =	seq.s32 s5, $0x0;
	s5 =	sld [smem:$0x3FB2]  }
0x2b: {  	s6 =	sld [smem:$0x3FB3]  }
0x2c: {  	s7 =	sld [smem:$0x3FB4]  }
0x2d: {  	s3 =	simm.s32 $0x108;
	s8 =	sld [smem:$0x3FB5]  }
0x2e: {  	s3 =	simm.s32 @!p0 $0x1082;
	s9 =	sld [smem:$0x3FB6]  }
0x2f: {  	lr =	sadd.s32 s0, s3;
	s0 =	sld [smem:$0x3FAD]  }
0x30: {  	s3 =	sld [smem:$0x3FB0]  }
0x31: {  	[smem:$0x3FB9] =	sst s10  }
0x32: {  	s10 =	sld [smem:$0x3FB7];
	_ =	sdelay $0x3  }
0x33: {  	p0 =	seq.s32 s10, $0x1;
	s10 =	sld [smem:$0x3FB9];
	_ =	sdelay $0x3  }
0x34: {  	[smem:$0x3FB9] =	sst s10  }
0x35: {  	s10 =	sld [smem:$0x3FB8];
	_ =	sdelay $0x3  }
0x36: {  	p1 =	seq.s32 s10, $0x1;
	s10 =	sld [smem:$0x3FB9];
	_ =	sdelay $0x3  }
0x37: {  	[smem:$0x3FB9] =	sst s10  }
0x38: {  	s10 =	sld [smem:$0x3FBA]  }
0x39: {  	_ = 	snop;
	(pc) =	sbr.ind lr, $3  }
0x3a: {  	_ = 	snop  }
0x3b: {  	_ = 	snop  }
0x3c: {  	p2 =	seq.s32 s10, $0x1;
	s10 =	sld [smem:$0x3FB9]  }
0x3d: {  	_ =	shalt  }
0x3e: {  	_ =	shalt  }
0x3f: {  	_ =	shalt  }
0x40: {  	_ =	shalt  }
0x41: {  	_ =	shalt  }
0x42: {  	_ =	shalt  }
0x43: {  	_ =	shalt  }
0x44: {  	_ =	shalt  }
0x45: {  	_ =	shalt  }
0x46: {  	_ =	shalt  }
0x47: {  	_ =	shalt  }
0x48: {  	_ =	shalt  }
0x49: {  	_ =	shalt  }
0x4a: {  	_ =	shalt  }
0x4b: {  	_ =	shalt  }
0x4c: {  	_ =	shalt  }
0x4d: {  	_ =	shalt  }
0x4e: {  	_ =	shalt  }
0x4f: {  	_ =	shalt  }
0x50: {  	_ =	shalt  }
0x51: {  	_ =	shalt  }
0x52: {  	_ =	shalt  }
0x53: {  	_ =	shalt  }
0x54: {  	_ =	shalt  }
0x55: {  	_ =	shalt  }
0x56: {  	_ =	shalt  }
0x57: {  	_ =	shalt  }
0x58: {  	_ =	shalt  }
0x59: {  	_ =	shalt  }
0x5a: {  	_ =	shalt  }
0x5b: {  	_ =	shalt  }
0x5c: {  	_ =	shalt  }
0x5d: {  	_ =	shalt  }
0x5e: {  	_ =	shalt  }
0x5f: {  	_ =	shalt  }
0x60: {  	_ =	shalt  }
0x61: {  	_ =	shalt  }
0x62: {  	_ =	shalt  }
0x63: {  	_ =	shalt  }
0x64: {  	_ =	shalt  }
0x65: {  	_ =	shalt  }
0x66: {  	_ =	shalt  }
0x67: {  	_ =	shalt  }
0x68: {  	_ =	shalt  }
0x69: {  	_ =	shalt  }
0x6a: {  	_ =	shalt  }
0x6b: {  	_ =	shalt  }
0x6c: {  	_ =	shalt  }
0x6d: {  	_ =	shalt  }
0x6e: {  	_ =	shalt  }
0x6f: {  	_ =	shalt  }
0x70: {  	_ =	shalt  }
0x71: {  	_ =	shalt  }
0x72: {  	_ =	shalt  }
0x73: {  	_ =	shalt  }
0x74: {  	_ =	shalt  }
0x75: {  	_ =	shalt  }
0x76: {  	_ =	shalt  }
0x77: {  	_ =	shalt  }
0x78: {  	_ =	shalt  }
0x79: {  	_ =	shalt  }
0x7a: {  	_ =	shalt  }
0x7b: {  	_ =	shalt  }
0x7c: {  	_ =	shalt  }
0x7d: {  	_ =	shalt  }
0x7e: {  	_ =	shalt  }
0x7f: {  	_ =	shalt  }
0x80: {  	_ =	shalt  }
0x81: {  	_ =	shalt  }
0x82: {  	_ =	shalt  }
0x83: {  	_ =	shalt  }
0x84: {  	_ =	shalt  }
0x85: {  	_ =	shalt  }
0x86: {  	_ =	shalt  }
0x87: {  	_ =	shalt  }
.Lfunc_end0:
.L_simem_size_0:
called_computation_lowered:
.L_overlay_start_0:
0x88: {  	s2 =	sld [smem:$0x3FD9]  }
0x89: {  	s3 =	sld [smem:$0x3FFE];
	_ =	sdelay $0x1  }
0x8a: {  	s1 =	srdreg.scid  }
0x8b: {  	s0 =	sand.u32 $0x1, s1  }
0x8c: {  	s17 =	sshll.u32 s0, $0xA;
	s2 =	sadd.s32 s3, s2  }
0x8d: {  	s2 =	sadd.s32 s2, s17  }
0x8e: {  	[smem:$0x3FC5] =	sst s2  }
0x8f: {  	_ = 	snop  }
0x90: {  	s2 =	sld [smem:$0x3FD0];
	(tm) =	ssettm $0x1  }
0x91: {  	s18 =	sld [smem:$0x3FFB];
	_ =	sdelay $0x3  }
0x92: {  	_ =	strace s18  }
0x93: {  	s3 =	sld [smem:$0x3FFC];
	_ =	sdelay $0x3  }
0x94: {  	_ =	strace s3  }
0x95: {  	s3 =	sld [smem:$0x3FFD];
	_ =	sdelay $0x3  }
0x96: {  	_ =	strace s3  }
0x97: {  	_ =	strace $0x8FFFFFFF  }
0x98: {  	s19 =	sld [smem:$0x3FDB];
	_ =	sdelay $0x1  }
0x99: {  	s4 =	simm.s32 $_scs_section_size  }
0x9a: {  	s5 =	simm.s32 $_size__tile_overlayer_lowered;
	s6 =	simm.s32 $_tile_overlayer_lowered  }
0x9b: {  	s22 =	simm.s32 $0x1BFF;
	s21 =	sshll.u32 s6, $0x1;
	s3 =	sadd.s32 s4, s19  }
0x9c: {  	s7 =	simm.s32 $0x0;
	s20 =	sshll.u32 s5, $0x1;
	s5 =	sadd.s32 s21, s3  }
0x9d: {  	[timem:s7], [sflag:s22] =	dma.local [hbm:s5], s20  }
0x9e: {  	_ =	swait.ge [sflag:s22], s20  }
0x9f: {  	s4 =	ssub.s32 $0x0, s20;
	[sflag:s22] =	ssyncset.done $0x0  }
0xa0: {  	[sflag:s22] =	ssyncadd.s32 s4;
	_ =	sdelay $0x1  }
0xa1: {  	s23 =	simm.s32 $0x1B8B  }
0xa2: {  	_ =	swait.ge [sflag:s23], $0x1  }
0xa3: {  	[sflag:s23] =	ssyncset.done $0x0  }
0xa4: {  	s25 =	simm.s32 $0x1B8E;
	s24 =	sld [smem:$0x3FFE];
	[sflag:s23] =	ssyncadd.s32 $0xFFFFFFFF  }
0xa5: {  	s26 =	simm.s32 $execute0_lowered;
	[smem:$0x3FD2] =	sst s25  }
0xa6: {  	s5 =	sshll.u32 s26, $0x1;
	_ =	strace $0x80000046;
	[dreg:$0x1] =	wrdreg $0xFFFFFFFF  }
0xa7: {  	s28 =	simm.s32 $_size_execute0_lowered;
	s3 =	sadd.s32 s3, s5;
	[dreg:$0x0] =	wrdreg $0x0  }
0xa8: {  	s5 =	sshll.u32 s28, $0x1;
	[dreg:$0x2] =	wrdreg s3  }
0xa9: {  	[dreg:$0x3] =	wrdreg s5  }
0xaa: {  	[dreg:$0x4] =	wrdreg $0xC0  }
0xab: {  	_ =	task [dreg:s7], $0x5FFFF  }
0xac: {  	[dreg:$0x1] =	wrdreg $0xFFFFFFFF  }
0xad: {  	[dreg:$0x0] =	wrdreg $0x60  }
0xae: {  	[dreg:$0x2] =	wrdreg s24  }
0xaf: {  	[dreg:$0x3] =	wrdreg s2  }
0xb0: {  	[dreg:$0x4] =	wrdreg $0x9  }
0xb1: {  	_ =	task.clear_ibuf [dreg:s7], $0x5FFFF;
	_ =	strace $0x90000046  }
0xb2: {  	s29 =	simm.s32 $0x9;
	_ =	strace $0x80000048  }
0xb3: {  	_ =	swait.ge [sflag:s29], $0x1  }
0xb4: {  	[sflag:s29] =	ssyncadd.s32 $0xFFFFFFFF  }
0xb5: {  	_ =	strace $0x90000048  }
0xb6: {  	_ =	sfence  }
0xb7: {  	s30 =	sld [smem:$0x0];
	_ =	sdelay $0x2  }
0xb8: {  	s31 =	sshll.u32 s1, $0xD;
	s1 =	sshrl.u32 s1, $0x2  }
0xb9: {  	s3 =	sand.u32 $0x4000, s31;
	s1 =	sadd.s32 s1, s30  }
0xba: {  	s0 =	sor.u32 s3, s0;
	s1 =	sshll.u32 s1, $0x11  }
0xbb: {  	s0 =	sor.u32 s1, s0  }
0xbc: {  	s0 =	sadd.s32 $0x8F2B, s0  }
0xbd: {  	[sflag:s0] =	ssyncadd.remote.s32 $0x1  }
0xbe: {  	_ =	sfence.sel $0xFFFF  }
0xbf: {  	[dreg:$0x0] =	wrdreg $0xFFFFFFFF;
	(pc) =	sbr.abs _section_cstart, $3  }
0xc0: {  	[dreg:$0x1] =	wrdreg $0xFFFFFFFF  }
0xc1: {  	_ =	task.clear_ibuf [dreg:s7], $0x2FFFF;
	_ =	strace $0x9FFFFFFF  }
0xc2: {  	(tm) =	ssettm $0x7FFFFFFF  }
0xc3: {  	_ =	shalt  }
tec
execute0_lowered:
.L_overlay_start_1:
0x0: {  	(tag) =	ssettag $0x1  }
0x1: {  	s0 =	srdreg.scid;
	s3 =	rddreg [dreg:$0x0]  }
0x2: {  	s5 =	rddreg [dreg:$0x1];
	s4 =	sand.u32 $0x1, s0  }
0x3: {  	s1 =	stileid.u32;
	s8 =	simm.s32 $0x0;
	s2 =	sshll.u32 s4, $0x4  }
0x4: {  	s4 =	ssub.s32 $0x2, s4;
	s6 =	sor.u32 s1, s2;
	s2 =	simm.s32 $0x0  }
0x5: {  	s7 =	sshrl.u32 s4, $0x1;
	s6 =	smul.u32 $0x4E2, s6;
	[smem:$0x7FF] =	sst s2  }
0x6: {  	s0 =	rddreg [dreg:$0x2];
	s7 =	ssub.s32 s4, s7;
	_ =	strace $0x80000047  }
0x7: {  	s3 =	sadd.s32 s6, s3;
	s4 =	sadd.s32 s5, s6;
	s5 =	smax.u32 s7, $0x1  }
0x8: {  	v0 =	vimm.s32 $0x0;
	v1 =	vimm.s32 $0x1;
	s6 =	simm.s32 $0x1;
	s7 =	simm.s32 $0x2780;
	s3 =	sadd.s32 $0xAC00, s3  }
.LBB2_1:
0x9: {  	[tilespmem:s2], [sflag:$0x1] =	stream.linear.gather [hbm4b:s3+s2], $0x2710, $0x38;
	[tilespmem:$0x4F00] =	vst v63  }
0xa: {  	_ =	swait.ge [sflag:s6], $0x2710  }
0xb: {  	[sflag:s6] =	ssyncset.done $0x0  }
0xc: {  	s9 =	simm.s32 $0x0;
	[sflag:s6] =	ssyncadd.s32 $0xFFFFD8F0  }
.LBB2_2:
0xd: {  	p0 =	sne.s32 s9, $0x9C00  }
.Ltmp0:
0xe: {  	_ = 	snop;
	(pc) =	sbr.rel @p0 .LBB2_2-.Ltmp0, $3  }
0xf: {  	_ =	sdelay $0x1  }
0x10: {  	s10 =	sshra.s32 s9, $0x2  }
0x11: {  	s9 =	sadd.s32 $0x40, s9;
	[tilespmem:s10+$0x2780] =	vst v0  }
0x12: {  	s10 =	simm.s32 $0x0;
	s9 =	simm.s32 $0x40  }
.LBB2_4:
0x13: {  	p0 =	sne.s32 s9, $0x9C00;
	v2 =	vld [tilespmem:s10+$0x0];
	_ =	sdelay $0x3  }
.Ltmp1:
0x14: {  	(pc) =	sbr.rel @p0 .LBB2_4-.Ltmp1, $2  }
0x15: {  	_ =	sdelay $0x2  }
0x16: {  	s10 =	sshra.s32 s9, $0x2;
	s9 =	sadd.s32 $0x40, s9;
	[tilespmem:v2+s7+$0x0] =	vst.idx.add.s32.msk $0xffff, v1  }
0x17: {  	v2 =	vld [tilespmem:s10+$0x0];
	_ =	sdelay $0x5  }
0x18: {  	s8 =	sadd.s32 $0x1, s8  }
0x19: {  	p0 =	sne.s32 s8, s5  }
.Ltmp2:
0x1a: {  	[tilespmem:v2+s7+$0x0] =	vst.idx.add.s32.msk $0xffff, v1;
	(pc) =	sbr.rel @p0 .LBB2_1-.Ltmp2, $4  }
0x1b: {  	[hbm4b:s4+s2] =	stream.linear.scatter [tilespmem:s7], [sflag:$0x1], $0x2710, $0x38;
	[tilespmem:$0x4F00] =	vst v63  }
0x1c: {  	_ =	swait.ge [sflag:s6], $0x2710  }
0x1d: {  	[sflag:s6] =	ssyncset.done $0x0  }
0x1e: {  	[sflag:s6] =	ssyncadd.s32 $0xFFFFD8F0  }
0x1f: {  	_ =	sfence.sel $0x180000  }
0x20: {  	[bflag:$0x0] =	sbarrier.arrive $0xFFFF  }
0x21: {  	p0 =	sne.s32 s1, $0x0;
	_ =	strace $0x90000047  }
0x22: {  	s0 =	sadd.s32 @!p0 $0x100000, s0;
	[bflag:$0x2] =	sbarrier.arrive $0xFFFF  }
0x23: {  	[sflag:s0] =	ssyncadd.tile.s32 @!p0 $0x1;
	_ =	shalt  }
.Lfunc_end2:
_tile_overlayer_lowered:
.L_overlay_start_2:
0x24: {  	(tag) =	ssettag $0x2  }
0x25: {  	s0 =	rddreg [dreg:$0x0];
	s2 =	stileid.u32  }
0x26: {  	s1 =	rddreg [dreg:$0x1];
	p0 =	sne.s32 s2, $0x0  }
0x27: {  	s3 =	rddreg [dreg:$0x2];
	[bflag:$0x3] =	sbarrier.arrive $0xFFFF;
	s2 =	simm.s32 @!p0 $0x1C01  }
0x28: {  	[timem:s3], [sflag:s2] =	dma.local @!p0 [hbm:s0], s1  }
0x29: {  	s0 =	simm.s32 @!p0 $0x1  }
0x2a: {  	_ =	swait.ge @!p0 [sflag:s0], s1  }
0x2b: {  	s1 =	ssub.s32 @!p0 $0x0, s1;
	[sflag:s0] =	ssyncset.done @!p0 $0x0  }
0x2c: {  	[sflag:s0] =	ssyncadd.s32 @!p0 s1  }
0x2d: {  	[bflag:$0x3] =	sbarrier.arrive $0xFFFF  }
0x2e: {  	_ =	shalt  }

// kernel: kernel.9.cloned.1.call-start
scs
__scs_entry_jumppad:
0x0: {  	(pc) =	sbr.rel $0x88, $3  }
0x1: {  	(tag) =	ssettag $0x0;
	lr =	simm.s32 $0x1  }
0x2: {  	[smem:$0x3F9E] =	sst lr;
	_ =	strace $0xD0000000  }
0x3: {  	_ = 	snop  }
0x4: {  	_ = 	snop  }
0x5: {  	_ = 	snop  }
0x6: {  	_ = 	snop  }
0x7: {  	_ = 	snop  }
__scs_overlays_trampoline_lowered:
0x8: {  	[smem:$0x3FAD] =	sst s0  }
0x9: {  	[smem:$0x3FAE] =	sst s1  }
0xa: {  	[smem:$0x3FAF] =	sst s2  }
0xb: {  	[smem:$0x3FB0] =	sst s3  }
0xc: {  	[smem:$0x3FB1] =	sst s4  }
0xd: {  	[smem:$0x3FB2] =	sst s5  }
0xe: {  	[smem:$0x3FB3] =	sst s6  }
0xf: {  	[smem:$0x3FB4] =	sst s7  }
0x10: {  	[smem:$0x3FB5] =	sst s8  }
0x11: {  	[smem:$0x3FB6] =	sst s9;
	s0 =	simm.s32 @!p0 $0x0  }
0x12: {  	s1 =	sld [smem:$0x3F9C];
	s0 =	simm.s32 @p0 $0x1  }
0x13: {  	[smem:$0x3FB7] =	sst s0;
	s0 =	simm.s32 @!p1 $0x0  }
0x14: {  	s2 =	sld [smem:$0x3F9B];
	s0 =	simm.s32 @p1 $0x1  }
0x15: {  	[smem:$0x3FB8] =	sst s0;
	s0 =	simm.s32 @!p2 $0x0  }
0x16: {  	s3 =	sld [smem:$0x3FDB];
	s0 =	simm.s32 @p2 $0x1  }
0x17: {  	s4 =	simm.s32 $0x1BF5;
	[smem:$0x3FBA] =	sst s0  }
0x18: {  	s0 =	sld [smem:$0x3F9D];
	_ =	swait.ge [sflag:s4], $0x0  }
0x19: {  	s7 =	sld [smem:$0x3F9E]  }
0x1a: {  	s8 =	sadd.s32 $0xFFFFE003, lr  }
0x1b: {  	s9 =	sadd.s32 $0xFFFFFEF7, lr;
	s5 =	simm.s32 $0xFFFFFFFF;
	p2 =	slt.u32 s8, $0xFFFFF086  }
0x1c: {  	p1 =	slt.u32 s9, $0xF7A;
	s5 =	simm.s32 @!p2 $0x0  }
0x1d: {  	s5 =	simm.s32 @p1 $0x1;
	p0 =	seq.s32 s7, s2  }
0x1e: {  	s7 =	smul.u32 @!p0 $0xF7A, s2;
	p2 =	seq.s32 @!p0 s5, $0x0  }
0x1f: {  	s9 =	smul.u32 $0xF7A, s1;
	s8 =	simm.s32 @!p0 $0x1BF5;
	p2 =	por !p2, p0  }
0x20: {  	[sflag:s8] =	ssyncset.s32 @!p0 $0xFFFFF086;
	s6 =	sadd.s32 @!p0 s3, s7;
	s7 =	simm.s32 @!p0 $0x108  }
0x21: {  	s3 =	sadd.s32 s3, s9;
	s6 =	sadd.s32 @!p0 $0x88, s6;
	s7 =	simm.s32 @p2 $0x1082  }
0x22: {  	[simem:s7], [sflag:s8] =	dma.local @!p0 [hbm:s6], $0xF7A  }
0x23: {  	s9 =	sor.u32 $0xD0000000, s2;
	s6 =	simm.s32 $0x108;
	_ =	swait.ge @!p0 [sflag:s8], $0x0  }
0x24: {  	s3 =	sadd.s32 $0x88, s3;
	s6 =	simm.s32 @!p1 $0x1082;
	[sflag:s4] =	ssyncset.s32 $0xFFFFF086  }
0x25: {  	[simem:s6], [sflag:s4] =	dma.local [hbm:s3], $0xF7A  }
0x26: {  	[smem:$0x3F9E] =	sst s1;
	(tag) =	ssettag s2;
	_ =	strace s9  }
0x27: {  	s1 =	sld [smem:$0x3FAE]  }
0x28: {  	s2 =	sld [smem:$0x3FAF]  }
0x29: {  	s4 =	sld [smem:$0x3FB1]  }
0x2a: {  	p0 =	seq.s32 s5, $0x0;
	s5 =	sld [smem:$0x3FB2]  }
0x2b: {  	s6 =	sld [smem:$0x3FB3]  }
0x2c: {  	s7 =	sld [smem:$0x3FB4]  }
0x2d: {  	s3 =	simm.s32 $0x108;
	s8 =	sld [smem:$0x3FB5]  }
0x2e: {  	s3 =	simm.s32 @!p0 $0x1082;
	s9 =	sld [smem:$0x3FB6]  }
0x2f: {  	lr =	sadd.s32 s0, s3;
	s0 =	sld [smem:$0x3FAD]  }
0x30: {  	s3 =	sld [smem:$0x3FB0]  }
0x31: {  	[smem:$0x3FB9] =	sst s10  }
0x32: {  	s10 =	sld [smem:$0x3FB7];
	_ =	sdelay $0x3  }
0x33: {  	p0 =	seq.s32 s10, $0x1;
	s10 =	sld [smem:$0x3FB9];
	_ =	sdelay $0x3  }
0x34: {  	[smem:$0x3FB9] =	sst s10  }
0x35: {  	s10 =	sld [smem:$0x3FB8];
	_ =	sdelay $0x3  }
0x36: {  	p1 =	seq.s32 s10, $0x1;
	s10 =	sld [smem:$0x3FB9];
	_ =	sdelay $0x3  }
0x37: {  	[smem:$0x3FB9] =	sst s10  }
0x38: {  	s10 =	sld [smem:$0x3FBA]  }
0x39: {  	_ = 	snop;
	(pc) =	sbr.ind lr, $3  }
0x3a: {  	_ = 	snop  }
0x3b: {  	_ = 	snop  }
0x3c: {  	p2 =	seq.s32 s10, $0x1;
	s10 =	sld [smem:$0x3FB9]  }
0x3d: {  	_ =	shalt  }
0x3e: {  	_ =	shalt  }
0x3f: {  	_ =	shalt  }
0x40: {  	_ =	shalt  }
0x41: {  	_ =	shalt  }
0x42: {  	_ =	shalt  }
0x43: {  	_ =	shalt  }
0x44: {  	_ =	shalt  }
0x45: {  	_ =	shalt  }
0x46: {  	_ =	shalt  }
0x47: {  	_ =	shalt  }
0x48: {  	_ =	shalt  }
0x49: {  	_ =	shalt  }
0x4a: {  	_ =	shalt  }
0x4b: {  	_ =	shalt  }
0x4c: {  	_ =	shalt  }
0x4d: {  	_ =	shalt  }
0x4e: {  	_ =	shalt  }
0x4f: {  	_ =	shalt  }
0x50: {  	_ =	shalt  }
0x51: {  	_ =	shalt  }
0x52: {  	_ =	shalt  }
0x53: {  	_ =	shalt  }
0x54: {  	_ =	shalt  }
0x55: {  	_ =	shalt  }
0x56: {  	_ =	shalt  }
0x57: {  	_ =	shalt  }
0x58: {  	_ =	shalt  }
0x59: {  	_ =	shalt  }
0x5a: {  	_ =	shalt  }
0x5b: {  	_ =	shalt  }
0x5c: {  	_ =	shalt  }
0x5d: {  	_ =	shalt  }
0x5e: {  	_ =	shalt  }
0x5f: {  	_ =	shalt  }
0x60: {  	_ =	shalt  }
0x61: {  	_ =	shalt  }
0x62: {  	_ =	shalt  }
0x63: {  	_ =	shalt  }
0x64: {  	_ =	shalt  }
0x65: {  	_ =	shalt  }
0x66: {  	_ =	shalt  }
0x67: {  	_ =	shalt  }
0x68: {  	_ =	shalt  }
0x69: {  	_ =	shalt  }
0x6a: {  	_ =	shalt  }
0x6b: {  	_ =	shalt  }
0x6c: {  	_ =	shalt  }
0x6d: {  	_ =	shalt  }
0x6e: {  	_ =	shalt  }
0x6f: {  	_ =	shalt  }
0x70: {  	_ =	shalt  }
0x71: {  	_ =	shalt  }
0x72: {  	_ =	shalt  }
0x73: {  	_ =	shalt  }
0x74: {  	_ =	shalt  }
0x75: {  	_ =	shalt  }
0x76: {  	_ =	shalt  }
0x77: {  	_ =	shalt  }
0x78: {  	_ =	shalt  }
0x79: {  	_ =	shalt  }
0x7a: {  	_ =	shalt  }
0x7b: {  	_ =	shalt  }
0x7c: {  	_ =	shalt  }
0x7d: {  	_ =	shalt  }
0x7e: {  	_ =	shalt  }
0x7f: {  	_ =	shalt  }
0x80: {  	_ =	shalt  }
0x81: {  	_ =	shalt  }
0x82: {  	_ =	shalt  }
0x83: {  	_ =	shalt  }
0x84: {  	_ =	shalt  }
0x85: {  	_ =	shalt  }
0x86: {  	_ =	shalt  }
0x87: {  	_ =	shalt  }
.Lfunc_end0:
.L_simem_size_0:
called_computation.1_lowered:
.L_overlay_start_0:
0x88: {  	s2 =	sld [smem:$0x3FD9]  }
0x89: {  	s3 =	sld [smem:$0x3FFE];
	_ =	sdelay $0x1  }
0x8a: {  	s1 =	srdreg.scid  }
0x8b: {  	s0 =	sand.u32 $0x1, s1  }
0x8c: {  	s17 =	sshll.u32 s0, $0xA;
	s2 =	sadd.s32 s3, s2  }
0x8d: {  	s2 =	sadd.s32 s2, s17  }
0x8e: {  	[smem:$0x3FC5] =	sst s2  }
0x8f: {  	_ = 	snop  }
0x90: {  	s2 =	sld [smem:$0x3FD0];
	(tm) =	ssettm $0x1  }
0x91: {  	s18 =	sld [smem:$0x3FFB];
	_ =	sdelay $0x3  }
0x92: {  	_ =	strace s18  }
0x93: {  	s3 =	sld [smem:$0x3FFC];
	_ =	sdelay $0x3  }
0x94: {  	_ =	strace s3  }
0x95: {  	s3 =	sld [smem:$0x3FFD];
	_ =	sdelay $0x3  }
0x96: {  	_ =	strace s3  }
0x97: {  	_ =	strace $0x8FFFFFFF  }
0x98: {  	s19 =	sld [smem:$0x3FDB];
	_ =	sdelay $0x1  }
0x99: {  	s4 =	simm.s32 $_scs_section_size  }
0x9a: {  	s5 =	simm.s32 $_size__tile_overlayer_lowered;
	s6 =	simm.s32 $_tile_overlayer_lowered  }
0x9b: {  	s22 =	simm.s32 $0x1BFF;
	s21 =	sshll.u32 s6, $0x1;
	s3 =	sadd.s32 s4, s19  }
0x9c: {  	s7 =	simm.s32 $0x0;
	s20 =	sshll.u32 s5, $0x1;
	s5 =	sadd.s32 s21, s3  }
0x9d: {  	[timem:s7], [sflag:s22] =	dma.local [hbm:s5], s20  }
0x9e: {  	_ =	swait.ge [sflag:s22], s20  }
0x9f: {  	s4 =	ssub.s32 $0x0, s20;
	[sflag:s22] =	ssyncset.done $0x0  }
0xa0: {  	[sflag:s22] =	ssyncadd.s32 s4;
	_ =	sdelay $0x1  }
0xa1: {  	s23 =	simm.s32 $0x1B8B  }
0xa2: {  	_ =	swait.ge [sflag:s23], $0x1  }
0xa3: {  	[sflag:s23] =	ssyncset.done $0x0  }
0xa4: {  	s25 =	simm.s32 $0x1B8E;
	s24 =	sld [smem:$0x3FFE];
	[sflag:s23] =	ssyncadd.s32 $0xFFFFFFFF  }
0xa5: {  	s26 =	simm.s32 $execute0_lowered;
	[smem:$0x3FD2] =	sst s25  }
0xa6: {  	s5 =	sshll.u32 s26, $0x1;
	_ =	strace $0x80000049;
	[dreg:$0x1] =	wrdreg $0xFFFFFFFF  }
0xa7: {  	s28 =	simm.s32 $_size_execute0_lowered;
	s3 =	sadd.s32 s3, s5;
	[dreg:$0x0] =	wrdreg $0x0  }
0xa8: {  	s5 =	sshll.u32 s28, $0x1;
	[dreg:$0x2] =	wrdreg s3  }
0xa9: {  	[dreg:$0x3] =	wrdreg s5  }
0xaa: {  	[dreg:$0x4] =	wrdreg $0xC0  }
0xab: {  	_ =	task [dreg:s7], $0x5FFFF  }
0xac: {  	[dreg:$0x1] =	wrdreg $0xFFFFFFFF  }
0xad: {  	[dreg:$0x0] =	wrdreg $0x60  }
0xae: {  	[dreg:$0x2] =	wrdreg s2  }
0xaf: {  	[dreg:$0x3] =	wrdreg s24  }
0xb0: {  	[dreg:$0x4] =	wrdreg $0xA8000  }
0xb1: {  	[dreg:$0x5] =	wrdreg $0x9  }
0xb2: {  	_ =	task.clear_ibuf [dreg:s7], $0x6FFFF;
	_ =	strace $0x90000049  }
0xb3: {  	s29 =	simm.s32 $0x9;
	_ =	strace $0x8000004B  }
0xb4: {  	_ =	swait.ge [sflag:s29], $0x1  }
0xb5: {  	[sflag:s29] =	ssyncadd.s32 $0xFFFFFFFF  }
0xb6: {  	_ =	strace $0x9000004B  }
0xb7: {  	_ =	sfence  }
0xb8: {  	s30 =	sld [smem:$0x0];
	_ =	sdelay $0x2  }
0xb9: {  	s31 =	sshll.u32 s1, $0xD;
	s1 =	sshrl.u32 s1, $0x2  }
0xba: {  	s3 =	sand.u32 $0x4000, s31;
	s1 =	sadd.s32 s1, s30  }
0xbb: {  	s0 =	sor.u32 s3, s0;
	s1 =	sshll.u32 s1, $0x11  }
0xbc: {  	s0 =	sor.u32 s1, s0  }
0xbd: {  	s0 =	sadd.s32 $0x8F2B, s0  }
0xbe: {  	[sflag:s0] =	ssyncadd.remote.s32 $0x1  }
0xbf: {  	_ =	sfence.sel $0xFFFF  }
0xc0: {  	[dreg:$0x0] =	wrdreg $0xFFFFFFFF;
	(pc) =	sbr.abs _section_cstart, $3  }
0xc1: {  	[dreg:$0x1] =	wrdreg $0xFFFFFFFF  }
0xc2: {  	_ =	task.clear_ibuf [dreg:s7], $0x2FFFF;
	_ =	strace $0x9FFFFFFF  }
0xc3: {  	(tm) =	ssettm $0x7FFFFFFF  }
tec
execute0_lowered:
.L_overlay_start_1:
0x0: {  	(tag) =	ssettag $0x1  }
0x1: {  	s0 =	rddreg [dreg:$0x1]  }
0x2: {  	s3 =	rddreg [dreg:$0x2];
	s4 =	simm.s32 $0x0;
	s2 =	srdreg.scid  }
0x3: {  	s13 =	stileid.u32;
	s19 =	simm.s32 $0x100;
	s29 =	simm.s32 $0x1  }
0x4: {  	s30 =	simm.s32 $0xA0;
	s31 =	simm.s32 $0x800;
	s16 =	simm.s32 $0x5  }
0x5: {  	s20 =	simm.s32 $0x200;
	s18 =	simm.s32 $0x500;
	s17 =	simm.s32 $0x6  }
0x6: {  	s28 =	simm.s32 $0x3;
	[smem:$0x7FF] =	sst s4;
	s2 =	sand.u32 $0x1, s2  }
0x7: {  	s7 =	smul.u32 $0x2700, s13;
	s5 =	sadd.s32 $0xE00, s0;
	s6 =	sadd.s32 $0xAC00, s0  }
0x8: {  	s9 =	sadd.s32 $0x14A00, s0;
	s24 =	smul.u32 $0x4E000, s13;
	s1 =	sshll.u32 s13, $0x6  }
0x9: {  	_ =	strace $0x8000004A;
	s8 =	smul.u32 $0x27100, s2;
	[dreg:$0x4] =	wrdreg s9  }
0xa: {  	s21 =	sshll.u32 s2, $0x4;
	s22 =	ssub.s32 $0x2, s2;
	s25 =	smul.u32 $0x28000, s2  }
0xb: {  	s9 =	sor.u32 s13, s21;
	s10 =	sshrl.u32 s22, $0x1;
	s26 =	sshrl.u32 s24, $0x2  }
0xc: {  	s13 =	smul.u32 $0x2800, s13;
	s24 =	simm.s32 $0x9;
	s21 =	simm.s32 $0x7  }
0xd: {  	s7 =	sadd.s32 s7, s8;
	s11 =	smul.u32 $0x2800, s9;
	s10 =	ssub.s32 s22, s10  }
0xe: {  	p0 =	seq.s32 s9, $0x1F;
	s8 =	simm.s32 $0x4;
	s9 =	simm.s32 $0x4  }
0xf: {  	s2 =	sadd.s32 s26, s3;
	s26 =	simm.s32 $0x700;
	s22 =	simm.s32 $0x8  }
0x10: {  	s7 =	sadd.s32 s7, s0;
	[dreg:$0xb] =	wrdreg s2;
	s10 =	smax.u32 s10, $0x1  }
0x11: {  	s11 =	sshrl.u32 s11, $0x3;
	s7 =	sadd.s32 $0x17200, s7;
	[dreg:$0xe] =	wrdreg s10  }
0x12: {  	s8 =	simm.s32 @!p0 $0x10;
	s12 =	sadd.s32 s5, s11;
	[dreg:$0xd] =	wrdreg s7  }
0x13: {  	s14 =	sadd.s32 s6, s11;
	s23 =	sor.u32 $0x14, s11;
	[dreg:$0x5] =	wrdreg s12  }
0x14: {  	s2 =	simm.s32 $0x50;
	s15 =	sadd.s32 s5, s23;
	[dreg:$0x6] =	wrdreg s14  }
0x15: {  	s12 =	sadd.s32 $0xAC0A, s0;
	s14 =	sadd.s32 $0x1E, s14;
	[dreg:$0x8] =	wrdreg s15  }
0x16: {  	s10 =	simm.s32 $0x400;
	s0 =	sadd.s32 s11, s12;
	[dreg:$0xa] =	wrdreg s14  }
0x17: {  	s14 =	sor.u32 $0x1C09, s1;
	s11 =	simm.s32 $0x0;
	[dreg:$0x7] =	wrdreg s0  }
0x18: {  	s1 =	simm.s32 $0x3000;
	s0 =	sadd.s32 s6, s23;
	[dreg:$0x10] =	wrdreg s11  }
0x19: {  	s15 =	simm.s32 $0x2;
	[dreg:$0x9] =	wrdreg s0;
	s0 =	sadd.s32 s13, s25  }
0x1a: {  	s23 =	simm.s32 $0x480;
	[dreg:$0xc] =	wrdreg s14;
	s0 =	sor.u32 $0x320, s0  }
0x1b: {  	s13 =	simm.s32 $0x600;
	s25 =	simm.s32 $0x680;
	[dreg:$0xf] =	wrdreg s0  }
.LBB2_1:
0x1c: {  	s7 =	rddreg [dreg:$0x5]  }
0x1d: {  	s0 =	rddreg [dreg:$0x6]  }
0x1e: {  	[tilespmem:s4], [sflag:$0x1] =	stream.linear.gather [hbm4b:s7+s4], $0xA0, $0x38;
	[tilespmem:$0x1E080] =	vst v63  }
0x1f: {  	s11 =	rddreg [dreg:$0x7]  }
0x20: {  	[tilespmem:s10], [sflag:$0x1] =	stream.linear.gather [hbm4b:s0+s4], $0x50, $0x38;
	[tilespmem:$0x1E080] =	vst v63  }
0x21: {  	s7 =	rddreg [dreg:$0x4]  }
0x22: {  	[tilespmem:s13], [sflag:$0x1] =	stream.linear.gather [hbm4b:s11+s4], $0x50, $0x38;
	[tilespmem:$0x1E080] =	vst v63  }
0x23: {  	s0 =	rddreg [dreg:$0x8]  }
0x24: {  	[tilespmem:s19], [sflag:$0x2] =	stream.linear.gather [hbm4b:s0+s4], $0xA0, $0x38;
	[tilespmem:$0x1E080] =	vst v63  }
0x25: {  	s11 =	rddreg [dreg:$0x9]  }
0x26: {  	[tilespmem:s23], [sflag:$0x2] =	stream.linear.gather [hbm4b:s11+s4], $0x50, $0x38;
	[tilespmem:$0x1E080] =	vst v63  }
0x27: {  	s11 =	rddreg [dreg:$0xb]  }
0x28: {  	s0 =	rddreg [dreg:$0xa];
	s11 =	sshrl.u32 s11, $0x3  }
0x29: {  	[tilespmem:s25], [sflag:$0x2] =	stream.linear.gather [hbm4b:s0+s4], $0x50, $0x38;
	[tilespmem:$0x1E080] =	vst v63  }
0x2a: {  	[dreg:$0x11] =	wrdreg s11  }
0x2b: {  	[spmem:s11], [sflag:s14] =	dma.local [hbm:s7], $0x2800  }
0x2c: {  	_ =	swait.ge [sflag:s24], $0x2800  }
0x2d: {  	[sflag:s24] =	ssyncset.done $0x0  }
0x2e: {  	[sflag:s24] =	ssyncadd.s32 $0xFFFFD800  }
0x2f: {  	[bflag:$0x0] =	sbarrier.arrive $0xFFFF  }
0x30: {  	_ =	swait.ge [sflag:s29], $0xA0  }
0x31: {  	[sflag:s29] =	ssyncset.done $0x0  }
0x32: {  	[sflag:s29] =	ssyncadd.s32 $0xFFFFFF60  }
0x33: {  	_ =	swait.ge [sflag:s29], $0x50  }
0x34: {  	[sflag:s29] =	ssyncset.done $0x0  }
0x35: {  	[sflag:s29] =	ssyncadd.s32 $0xFFFFFFB0  }
0x36: {  	_ =	swait.ge [sflag:s29], $0x50  }
0x37: {  	p0 =	por $0x1, $0x1;
	[sflag:s29] =	ssyncset.done $0x0  }
0x38: {  	s7 =	simm.s32 @!p0 $0x7;
	[sflag:s29] =	ssyncadd.s32 $0xFFFFFFB0  }
0x39: {  	_ =	swait.ge @!p0 [sflag:s7], $0x2800  }
0x3a: {  	[sflag:s7] =	ssyncset.done @!p0 $0x0  }
0x3b: {  	[sflag:s7] =	ssyncadd.s32 @!p0 $0xFFFFD800  }
0x3c: {  	_ =	swait.ge @!p0 [sflag:s7], $0x2800  }
0x3d: {  	[sflag:s7] =	ssyncset.done @!p0 $0x0  }
0x3e: {  	[sflag:s7] =	ssyncadd.s32 @!p0 $0xFFFFD800  }
0x3f: {  	s11 =	rddreg [dreg:$0x0]  }
0x40: {  	[tilespmem:s31], [sflag:$0x5] =	stream.indirect.gather [hbm4b:s11+s30], $0x80, s4, s30, $0xb8;
	[tilespmem:$0x1E080] =	vst v63  }
0x41: {  	_ =	swait.ge [sflag:s16], $0x5000  }
0x42: {  	[sflag:s16] =	ssyncset.done $0x0;
	s24 =	rddreg [dreg:$0xf]  }
0x43: {  	[sflag:s16] =	ssyncadd.s32 $0xFFFFB000;
	s14 =	sadd.s32 $0xFFFFFE20, s24  }
0x44: {  	[spmem:s3] =	stream.indirect.scatter.add.f32 [tilespmem:s31], [sflag:$0x7], $0x80, s10, s2, $0xb8;
	[tilespmem:$0x1E080] =	vst v63  }
0x45: {  	s7 =	sshrl.u32 s14, $0x3  }
0x46: {  	[spmem:s3] =	stream.indirect.scatter.add.f32 [tilespmem:s1], [sflag:$0x7], $0x80, s13, s2, $0xb8;
	[tilespmem:$0x1E080] =	vst v63  }
0x47: {  	s14 =	sadd.s32 s5, s7;
	s1 =	sadd.s32 $0xFFFFFE70, s24  }
0x48: {  	[tilespmem:s20], [sflag:$0x3] =	stream.linear.gather [hbm4b:s14+s4], $0xA0, $0x38;
	[tilespmem:$0x1E080] =	vst v63  }
0x49: {  	s7 =	sadd.s32 s6, s7;
	s13 =	sshrl.u32 s1, $0x3  }
0x4a: {  	[tilespmem:s18], [sflag:$0x3] =	stream.linear.gather [hbm4b:s7+s4], $0x50, $0x38;
	[tilespmem:$0x1E080] =	vst v63  }
0x4b: {  	s14 =	sadd.s32 s6, s13  }
0x4c: {  	[tilespmem:s26], [sflag:$0x3] =	stream.linear.gather [hbm4b:s14+s4], $0x50, $0x38;
	[tilespmem:$0x1E080] =	vst v63  }
0x4d: {  	_ =	swait.ge [sflag:s15], $0xA0  }
0x4e: {  	[sflag:s15] =	ssyncset.done $0x0  }
0x4f: {  	[sflag:s15] =	ssyncadd.s32 $0xFFFFFF60  }
0x50: {  	_ =	swait.ge [sflag:s15], $0x50  }
0x51: {  	[sflag:s15] =	ssyncset.done $0x0  }
0x52: {  	[sflag:s15] =	ssyncadd.s32 $0xFFFFFFB0  }
0x53: {  	_ =	swait.ge [sflag:s15], $0x50  }
0x54: {  	[sflag:s15] =	ssyncset.done $0x0  }
0x55: {  	s7 =	simm.s32 @!p0 $0x8;
	[sflag:s15] =	ssyncadd.s32 $0xFFFFFFB0  }
0x56: {  	_ =	swait.ge @!p0 [sflag:s7], $0x2800  }
0x57: {  	[sflag:s7] =	ssyncset.done @!p0 $0x0  }
0x58: {  	[sflag:s7] =	ssyncadd.s32 @!p0 $0xFFFFD800  }
0x59: {  	_ =	swait.ge @!p0 [sflag:s7], $0x2800  }
0x5a: {  	[sflag:s7] =	ssyncset.done @!p0 $0x0  }
0x5b: {  	s0 =	simm.s32 $0x5800;
	[sflag:s7] =	ssyncadd.s32 @!p0 $0xFFFFD800  }
0x5c: {  	[tilespmem:s0], [sflag:$0x6] =	stream.indirect.gather [hbm4b:s11+s30], $0x80, s19, s30, $0xb8;
	[tilespmem:$0x1E080] =	vst v63  }
0x5d: {  	_ =	swait.ge [sflag:s17], $0x5000  }
0x5e: {  	[sflag:s17] =	ssyncset.done $0x0  }
0x5f: {  	s19 =	sadd.s32 $0xFFFFFEC0, s24;
	[sflag:s17] =	ssyncadd.s32 $0xFFFFB000  }
0x60: {  	[spmem:s3] =	stream.indirect.scatter.add.f32 [tilespmem:s0], [sflag:$0x8], $0x80, s23, s2, $0xb8;
	[tilespmem:$0x1E080] =	vst v63  }
0x61: {  	s7 =	sshrl.u32 s19, $0x3;
	s23 =	simm.s32 $0x8000  }
0x62: {  	[spmem:s3] =	stream.indirect.scatter.add.f32 [tilespmem:s23], [sflag:$0x8], $0x80, s25, s2, $0xb8;
	[tilespmem:$0x1E080] =	vst v63  }
0x63: {  	s1 =	sadd.s32 $0xFFFFFF10, s24;
	s14 =	simm.s32 $0x300;
	s0 =	sadd.s32 s5, s7  }
0x64: {  	[tilespmem:s14], [sflag:$0x4] =	stream.linear.gather [hbm4b:s0+s4], $0xA0, $0x38;
	[tilespmem:$0x1E080] =	vst v63  }
0x65: {  	s13 =	sshrl.u32 s1, $0x3;
	s19 =	simm.s32 $0x580;
	s7 =	sadd.s32 s6, s7  }
0x66: {  	[tilespmem:s19], [sflag:$0x4] =	stream.linear.gather [hbm4b:s7+s4], $0x50, $0x38;
	[tilespmem:$0x1E080] =	vst v63  }
0x67: {  	s1 =	simm.s32 $0x780;
	s7 =	sadd.s32 s6, s13  }
0x68: {  	[tilespmem:s1], [sflag:$0x4] =	stream.linear.gather [hbm4b:s7+s4], $0x50, $0x38;
	[tilespmem:$0x1E080] =	vst v63  }
0x69: {  	_ =	swait.ge [sflag:s28], $0xA0  }
0x6a: {  	[sflag:s28] =	ssyncset.done $0x0  }
0x6b: {  	[sflag:s28] =	ssyncadd.s32 $0xFFFFFF60  }
0x6c: {  	_ =	swait.ge [sflag:s28], $0x50  }
0x6d: {  	[sflag:s28] =	ssyncset.done $0x0  }
0x6e: {  	[sflag:s28] =	ssyncadd.s32 $0xFFFFFFB0  }
0x6f: {  	_ =	swait.ge [sflag:s28], $0x50  }
0x70: {  	[sflag:s28] =	ssyncset.done $0x0  }
0x71: {  	[sflag:s28] =	ssyncadd.s32 $0xFFFFFFB0  }
0x72: {  	_ =	swait.ge [sflag:s21], $0x2800  }
0x73: {  	[sflag:s21] =	ssyncset.done $0x0  }
0x74: {  	[sflag:s21] =	ssyncadd.s32 $0xFFFFD800  }
0x75: {  	_ =	swait.ge [sflag:s21], $0x2800  }
0x76: {  	[sflag:s21] =	ssyncset.done $0x0  }
0x77: {  	[sflag:s21] =	ssyncadd.s32 $0xFFFFD800  }
0x78: {  	[tilespmem:s31], [sflag:$0x5] =	stream.indirect.gather [hbm4b:s11+s30], $0x80, s20, s30, $0xb8;
	[tilespmem:$0x1E080] =	vst v63  }
0x79: {  	_ =	swait.ge [sflag:s16], $0x5000  }
0x7a: {  	p1 =	sle.u32 s8, $0x1;
	[sflag:s16] =	ssyncset.done $0x0  }
0x7b: {  	s7 =	sadd.s32 @!p1 $0xFFFFFF60, s24;
	[sflag:s16] =	ssyncadd.s32 $0xFFFFB000  }
0x7c: {  	[spmem:s3] =	stream.indirect.scatter.add.f32 [tilespmem:s31], [sflag:$0x7], $0x80, s18, s2, $0xb8;
	[tilespmem:$0x1E080] =	vst v63  }
0x7d: {  	s25 =	simm.s32 $0x3000;
	s7 =	sshrl.u32 @!p1 s7, $0x3  }
0x7e: {  	[spmem:s3] =	stream.indirect.scatter.add.f32 [tilespmem:s25], [sflag:$0x7], $0x80, s26, s2, $0xb8;
	[tilespmem:$0x1E080] =	vst v63  }
0x7f: {  	s10 =	sadd.s32 @!p1 s5, s7;
	s25 =	simm.s32 @!p1 $0x0  }
0x80: {  	[tilespmem:s25], [sflag:$0x1] =	stream.linear.gather @!p1 [hbm4b:s10+s25], $0xA0, $0x38;
	[tilespmem:$0x1E080] =	vst v63  }
0x81: {  	s13 =	simm.s32 @!p1 $0x400;
	s10 =	sadd.s32 @!p1 s6, s7  }
0x82: {  	[tilespmem:s13], [sflag:$0x1] =	stream.linear.gather @!p1 [hbm4b:s10+s25], $0x50, $0x38;
	[tilespmem:$0x1E080] =	vst v63  }
0x83: {  	s7 =	sadd.s32 @!p1 s7, s12;
	s10 =	simm.s32 @!p1 $0x600  }
0x84: {  	[tilespmem:s10], [sflag:$0x1] =	stream.linear.gather @!p1 [hbm4b:s7+s25], $0x50, $0x38;
	[tilespmem:$0x1E080] =	vst v63  }
0x85: {  	_ =	swait.ge [sflag:s9], $0xA0  }
0x86: {  	[sflag:s9] =	ssyncset.done $0x0  }
0x87: {  	[sflag:s9] =	ssyncadd.s32 $0xFFFFFF60  }
0x88: {  	_ =	swait.ge [sflag:s9], $0x50  }
0x89: {  	[sflag:s9] =	ssyncset.done $0x0  }
0x8a: {  	[sflag:s9] =	ssyncadd.s32 $0xFFFFFFB0  }
0x8b: {  	_ =	swait.ge [sflag:s9], $0x50  }
0x8c: {  	[sflag:s9] =	ssyncset.done $0x0  }
0x8d: {  	[sflag:s9] =	ssyncadd.s32 $0xFFFFFFB0  }
0x8e: {  	_ =	swait.ge [sflag:s22], $0x2800  }
0x8f: {  	[sflag:s22] =	ssyncset.done $0x0  }
0x90: {  	[sflag:s22] =	ssyncadd.s32 $0xFFFFD800  }
0x91: {  	_ =	swait.ge [sflag:s22], $0x2800  }
0x92: {  	[sflag:s22] =	ssyncset.done $0x0  }
0x93: {  	s18 =	smov.u32 s11;
	s11 =	simm.s32 $0x5800;
	[sflag:s22] =	ssyncadd.s32 $0xFFFFD800  }
0x94: {  	[tilespmem:s11], [sflag:$0x6] =	stream.indirect.gather [hbm4b:s18+s30], $0x80, s14, s30, $0xb8;
	[tilespmem:$0x1E080] =	vst v63  }
0x95: {  	_ =	swait.ge [sflag:s17], $0x5000  }
0x96: {  	p0 =	sne.s32 s8, $0x1;
	[sflag:s17] =	ssyncset.done $0x0  }
.Ltmp0:
0x97: {  	s7 =	sshrl.u32 @!p1 s24, $0x3;
	[sflag:s17] =	ssyncadd.s32 $0xFFFFB000;
	(pc) =	sbr.rel @!p0 .LBB2_3-.Ltmp0, $4  }
0x98: {  	[spmem:s3] =	stream.indirect.scatter.add.f32 [tilespmem:s11], [sflag:$0x8], $0x80, s19, s2, $0xb8;
	[tilespmem:$0x1E080] =	vst v63  }
0x99: {  	s13 =	simm.s32 @!p1 $0x100;
	s10 =	sadd.s32 @!p1 s5, s7  }
0x9a: {  	[spmem:s3] =	stream.indirect.scatter.add.f32 [tilespmem:s23], [sflag:$0x8], $0x80, s1, s2, $0xb8;
	[tilespmem:$0x1E080] =	vst v63  }
0x9b: {  	s26 =	sadd.s32 @!p1 s6, s7;
	s7 =	sadd.s32 @!p1 s7, s12;
	s23 =	simm.s32 $0x1  }
.LBB2_2:
0x9c: {  	[tilespmem:s13], [sflag:$0x2] =	stream.linear.gather @!p1 [hbm4b:s10+s25], $0xA0, $0x38;
	[tilespmem:$0x1E080] =	vst v63  }
0x9d: {  	s14 =	simm.s32 @!p1 $0x480  }
0x9e: {  	[tilespmem:s14], [sflag:$0x2] =	stream.linear.gather @!p1 [hbm4b:s26+s25], $0x50, $0x38;
	[tilespmem:$0x1E080] =	vst v63  }
0x9f: {  	s10 =	simm.s32 @!p1 $0x680  }
0xa0: {  	[tilespmem:s10], [sflag:$0x2] =	stream.linear.gather @!p1 [hbm4b:s7+s25], $0x50, $0x38;
	[tilespmem:$0x1E080] =	vst v63  }
0xa1: {  	_ =	swait.ge [sflag:s29], $0xA0  }
0xa2: {  	[sflag:s29] =	ssyncset.done $0x0  }
0xa3: {  	[sflag:s29] =	ssyncadd.s32 $0xFFFFFF60  }
0xa4: {  	_ =	swait.ge [sflag:s29], $0x50  }
0xa5: {  	[sflag:s29] =	ssyncset.done $0x0  }
0xa6: {  	[sflag:s29] =	ssyncadd.s32 $0xFFFFFFB0  }
0xa7: {  	s19 =	smov.u32 s23;
	_ =	swait.ge [sflag:s29], $0x50  }
0xa8: {  	p1 =	seq.s32 s19, $0x0;
	[sflag:s29] =	ssyncset.done $0x0  }
0xa9: {  	s7 =	simm.s32 @!p1 $0x7;
	[sflag:s29] =	ssyncadd.s32 $0xFFFFFFB0  }
0xaa: {  	_ =	swait.ge @!p1 [sflag:s7], $0x2800  }
0xab: {  	[sflag:s7] =	ssyncset.done @!p1 $0x0  }
0xac: {  	[sflag:s7] =	ssyncadd.s32 @!p1 $0xFFFFD800  }
0xad: {  	_ =	swait.ge @!p1 [sflag:s7], $0x2800  }
0xae: {  	[sflag:s7] =	ssyncset.done @!p1 $0x0  }
0xaf: {  	[sflag:s7] =	ssyncadd.s32 @!p1 $0xFFFFD800  }
0xb0: {  	[tilespmem:s31], [sflag:$0x5] =	stream.indirect.gather [hbm4b:s18+s30], $0x80, s4, s30, $0xb8;
	[tilespmem:$0x1E080] =	vst v63  }
0xb1: {  	_ =	swait.ge [sflag:s16], $0x5000  }
0xb2: {  	s24 =	sadd.s32 $0x280, s24;
	[sflag:s16] =	ssyncset.done $0x0  }
0xb3: {  	s19 =	simm.s32 $0x400;
	[sflag:s16] =	ssyncadd.s32 $0xFFFFB000;
	s16 =	sadd.s32 $0xFFFFFE20, s24  }
0xb4: {  	[spmem:s3] =	stream.indirect.scatter.add.f32 [tilespmem:s31], [sflag:$0x7], $0x80, s19, s2, $0xb8;
	[tilespmem:$0x1E080] =	vst v63  }
0xb5: {  	s20 =	simm.s32 $0x600;
	s7 =	sshrl.u32 s16, $0x3;
	s19 =	simm.s32 $0x3000  }
0xb6: {  	[spmem:s3] =	stream.indirect.scatter.add.f32 [tilespmem:s19], [sflag:$0x7], $0x80, s20, s2, $0xb8;
	[tilespmem:$0x1E080] =	vst v63  }
0xb7: {  	s26 =	sadd.s32 $0xFFFFFE70, s24;
	s14 =	simm.s32 $0x200;
	s25 =	sadd.s32 s5, s7  }
0xb8: {  	[tilespmem:s14], [sflag:$0x3] =	stream.linear.gather [hbm4b:s25+s4], $0xA0, $0x38;
	[tilespmem:$0x1E080] =	vst v63  }
0xb9: {  	s0 =	sshrl.u32 s26, $0x3;
	s30 =	simm.s32 $0x500;
	s7 =	sadd.s32 s6, s7  }
0xba: {  	[tilespmem:s30], [sflag:$0x3] =	stream.linear.gather [hbm4b:s7+s4], $0x50, $0x38;
	[tilespmem:$0x1E080] =	vst v63  }
0xbb: {  	s1 =	sadd.s32 s6, s0;
	s31 =	simm.s32 $0x700  }
0xbc: {  	[tilespmem:s31], [sflag:$0x3] =	stream.linear.gather [hbm4b:s1+s4], $0x50, $0x38;
	[tilespmem:$0x1E080] =	vst v63  }
0xbd: {  	_ =	swait.ge [sflag:s15], $0xA0  }
0xbe: {  	[sflag:s15] =	ssyncset.done $0x0  }
0xbf: {  	[sflag:s15] =	ssyncadd.s32 $0xFFFFFF60  }
0xc0: {  	_ =	swait.ge [sflag:s15], $0x50  }
0xc1: {  	[sflag:s15] =	ssyncset.done $0x0  }
0xc2: {  	[sflag:s15] =	ssyncadd.s32 $0xFFFFFFB0  }
0xc3: {  	_ =	swait.ge [sflag:s15], $0x50  }
0xc4: {  	[sflag:s15] =	ssyncset.done $0x0  }
0xc5: {  	s7 =	simm.s32 @!p1 $0x8;
	[sflag:s15] =	ssyncadd.s32 $0xFFFFFFB0  }
0xc6: {  	_ =	swait.ge @!p1 [sflag:s7], $0x2800  }
0xc7: {  	[sflag:s7] =	ssyncset.done @!p1 $0x0  }
0xc8: {  	[sflag:s7] =	ssyncadd.s32 @!p1 $0xFFFFD800  }
0xc9: {  	_ =	swait.ge @!p1 [sflag:s7], $0x2800  }
0xca: {  	[sflag:s7] =	ssyncset.done @!p1 $0x0  }
0xcb: {  	s13 =	simm.s32 $0xA0;
	s0 =	simm.s32 $0x100;
	[sflag:s7] =	ssyncadd.s32 @!p1 $0xFFFFD800  }
0xcc: {  	[tilespmem:s11], [sflag:$0x6] =	stream.indirect.gather [hbm4b:s18+s13], $0x80, s0, s13, $0xb8;
	[tilespmem:$0x1E080] =	vst v63  }
0xcd: {  	_ =	swait.ge [sflag:s17], $0x5000  }
0xce: {  	[sflag:s17] =	ssyncset.done $0x0  }
0xcf: {  	s10 =	sadd.s32 $0xFFFFFEC0, s24;
	s1 =	simm.s32 $0x480;
	[sflag:s17] =	ssyncadd.s32 $0xFFFFB000  }
0xd0: {  	[spmem:s3] =	stream.indirect.scatter.add.f32 [tilespmem:s11], [sflag:$0x8], $0x80, s1, s2, $0xb8;
	[tilespmem:$0x1E080] =	vst v63  }
0xd1: {  	s20 =	simm.s32 $0x8000;
	s7 =	sshrl.u32 s10, $0x3;
	s18 =	simm.s32 $0x680  }
0xd2: {  	[spmem:s3] =	stream.indirect.scatter.add.f32 [tilespmem:s20], [sflag:$0x8], $0x80, s18, s2, $0xb8;
	[tilespmem:$0x1E080] =	vst v63  }
0xd3: {  	s25 =	sadd.s32 $0xFFFFFF10, s24;
	s11 =	sadd.s32 s5, s7;
	s18 =	simm.s32 $0x300  }
0xd4: {  	[tilespmem:s18], [sflag:$0x4] =	stream.linear.gather [hbm4b:s11+s4], $0xA0, $0x38;
	[tilespmem:$0x1E080] =	vst v63  }
0xd5: {  	s7 =	sadd.s32 s6, s7;
	s1 =	sshrl.u32 s25, $0x3;
	s11 =	simm.s32 $0x580  }
0xd6: {  	[tilespmem:s11], [sflag:$0x4] =	stream.linear.gather [hbm4b:s7+s4], $0x50, $0x38;
	[tilespmem:$0x1E080] =	vst v63  }
0xd7: {  	s7 =	sadd.s32 s6, s1;
	s1 =	simm.s32 $0x780  }
0xd8: {  	[tilespmem:s1], [sflag:$0x4] =	stream.linear.gather [hbm4b:s7+s4], $0x50, $0x38;
	[tilespmem:$0x1E080] =	vst v63  }
0xd9: {  	_ =	swait.ge [sflag:s28], $0xA0  }
0xda: {  	[sflag:s28] =	ssyncset.done $0x0  }
0xdb: {  	[sflag:s28] =	ssyncadd.s32 $0xFFFFFF60  }
0xdc: {  	_ =	swait.ge [sflag:s28], $0x50  }
0xdd: {  	[sflag:s28] =	ssyncset.done $0x0  }
0xde: {  	[sflag:s28] =	ssyncadd.s32 $0xFFFFFFB0  }
0xdf: {  	_ =	swait.ge [sflag:s28], $0x50  }
0xe0: {  	[sflag:s28] =	ssyncset.done $0x0  }
0xe1: {  	[sflag:s28] =	ssyncadd.s32 $0xFFFFFFB0  }
0xe2: {  	_ =	swait.ge [sflag:s21], $0x2800  }
0xe3: {  	[sflag:s21] =	ssyncset.done $0x0  }
0xe4: {  	[sflag:s21] =	ssyncadd.s32 $0xFFFFD800  }
0xe5: {  	_ =	swait.ge [sflag:s21], $0x2800  }
0xe6: {  	[sflag:s21] =	ssyncset.done $0x0  }
0xe7: {  	[sflag:s21] =	ssyncadd.s32 $0xFFFFD800  }
0xe8: {  	s26 =	simm.s32 $0x5;
	s16 =	simm.s32 $0x800;
	s10 =	rddreg [dreg:$0x0]  }
0xe9: {  	[tilespmem:s16], [sflag:$0x5] =	stream.indirect.gather [hbm4b:s10+s13], $0x80, s14, s13, $0xb8;
	[tilespmem:$0x1E080] =	vst v63  }
0xea: {  	s23 =	sadd.s32 $0x1, s23;
	_ =	swait.ge [sflag:s26], $0x5000  }
0xeb: {  	p1 =	sge.u32 s23, s8;
	[sflag:s26] =	ssyncset.done $0x0  }
0xec: {  	s7 =	sadd.s32 @!p1 $0xFFFFFF60, s24;
	s13 =	sshrl.u32 @!p1 s24, $0x3;
	[sflag:s26] =	ssyncadd.s32 $0xFFFFB000  }
0xed: {  	[spmem:s3] =	stream.indirect.scatter.add.f32 [tilespmem:s16], [sflag:$0x7], $0x80, s30, s2, $0xb8;
	[tilespmem:$0x1E080] =	vst v63  }
0xee: {  	s25 =	simm.s32 @!p1 $0x0;
	s14 =	sshrl.u32 @!p1 s7, $0x3;
	s10 =	sadd.s32 @!p1 s5, s13  }
0xef: {  	[spmem:s3] =	stream.indirect.scatter.add.f32 [tilespmem:s19], [sflag:$0x7], $0x80, s31, s2, $0xb8;
	[tilespmem:$0x1E080] =	vst v63  }
0xf0: {  	s7 =	sadd.s32 @!p1 s13, s12;
	s26 =	sadd.s32 @!p1 s6, s13;
	s13 =	sadd.s32 @!p1 s5, s14  }
0xf1: {  	[tilespmem:s25], [sflag:$0x1] =	stream.linear.gather @!p1 [hbm4b:s13+s25], $0xA0, $0x38;
	[tilespmem:$0x1E080] =	vst v63  }
0xf2: {  	s19 =	simm.s32 @!p1 $0x400;
	s13 =	sadd.s32 @!p1 s6, s14  }
0xf3: {  	[tilespmem:s19], [sflag:$0x1] =	stream.linear.gather @!p1 [hbm4b:s13+s25], $0x50, $0x38;
	[tilespmem:$0x1E080] =	vst v63  }
0xf4: {  	s13 =	sadd.s32 @!p1 s14, s12;
	s14 =	simm.s32 @!p1 $0x600  }
0xf5: {  	[tilespmem:s14], [sflag:$0x1] =	stream.linear.gather @!p1 [hbm4b:s13+s25], $0x50, $0x38;
	[tilespmem:$0x1E080] =	vst v63  }
0xf6: {  	_ =	swait.ge [sflag:s9], $0xA0  }
0xf7: {  	[sflag:s9] =	ssyncset.done $0x0  }
0xf8: {  	[sflag:s9] =	ssyncadd.s32 $0xFFFFFF60  }
0xf9: {  	_ =	swait.ge [sflag:s9], $0x50  }
0xfa: {  	[sflag:s9] =	ssyncset.done $0x0  }
0xfb: {  	[sflag:s9] =	ssyncadd.s32 $0xFFFFFFB0  }
0xfc: {  	_ =	swait.ge [sflag:s9], $0x50  }
0xfd: {  	[sflag:s9] =	ssyncset.done $0x0  }
0xfe: {  	[sflag:s9] =	ssyncadd.s32 $0xFFFFFFB0  }
0xff: {  	_ =	swait.ge [sflag:s22], $0x2800  }
0x100: {  	[sflag:s22] =	ssyncset.done $0x0  }
0x101: {  	[sflag:s22] =	ssyncadd.s32 $0xFFFFD800  }
0x102: {  	_ =	swait.ge [sflag:s22], $0x2800  }
0x103: {  	[sflag:s22] =	ssyncset.done $0x0  }
0x104: {  	[sflag:s22] =	ssyncadd.s32 $0xFFFFD800  }
0x105: {  	s0 =	simm.s32 $0x5800;
	s30 =	simm.s32 $0xA0;
	s19 =	rddreg [dreg:$0x0]  }
0x106: {  	[tilespmem:s0], [sflag:$0x6] =	stream.indirect.gather [hbm4b:s19+s30], $0x80, s18, s30, $0xb8;
	[tilespmem:$0x1E080] =	vst v63  }
0x107: {  	p0 =	sne.s32 s8, s23;
	s18 =	rddreg [dreg:$0x0];
	_ =	swait.ge [sflag:s17], $0x5000  }
.Ltmp1:
0x108: {  	[sflag:s17] =	ssyncset.done $0x0;
	(pc) =	sbr.rel @p0 .LBB2_2-.Ltmp1, $4  }
0x109: {  	s16 =	simm.s32 $0x5;
	[sflag:s17] =	ssyncadd.s32 $0xFFFFB000  }
0x10a: {  	[spmem:s3] =	stream.indirect.scatter.add.f32 [tilespmem:s0], [sflag:$0x8], $0x80, s11, s2, $0xb8;
	[tilespmem:$0x1E080] =	vst v63  }
0x10b: {  	s31 =	simm.s32 $0x800;
	s13 =	simm.s32 @!p1 $0x100;
	s11 =	simm.s32 $0x5800  }
0x10c: {  	[spmem:s3] =	stream.indirect.scatter.add.f32 [tilespmem:s20], [sflag:$0x8], $0x80, s1, s2, $0xb8;
	[tilespmem:$0x1E080] =	vst v63  }
.LBB2_3:
0x10d: {  	[tilespmem:s13], [sflag:$0x2] =	stream.linear.gather @!p1 [hbm4b:s10+s25], $0xA0, $0x38;
	[tilespmem:$0x1E080] =	vst v63  }
0x10e: {  	s10 =	simm.s32 @!p1 $0x480  }
0x10f: {  	[tilespmem:s10], [sflag:$0x2] =	stream.linear.gather @!p1 [hbm4b:s26+s25], $0x50, $0x38;
	[tilespmem:$0x1E080] =	vst v63  }
0x110: {  	s10 =	simm.s32 @!p1 $0x680  }
0x111: {  	[tilespmem:s10], [sflag:$0x2] =	stream.linear.gather @!p1 [hbm4b:s7+s25], $0x50, $0x38;
	[tilespmem:$0x1E080] =	vst v63  }
0x112: {  	_ =	swait.ge [sflag:s21], $0x2800  }
0x113: {  	[sflag:s21] =	ssyncset.done $0x0  }
0x114: {  	[sflag:s21] =	ssyncadd.s32 $0xFFFFD800  }
0x115: {  	_ =	swait.ge [sflag:s21], $0x2800  }
0x116: {  	[sflag:s21] =	ssyncset.done $0x0  }
0x117: {  	[sflag:s21] =	ssyncadd.s32 $0xFFFFD800  }
0x118: {  	_ =	swait.ge [sflag:s22], $0x2800  }
0x119: {  	[sflag:s22] =	ssyncset.done $0x0  }
0x11a: {  	[sflag:s22] =	ssyncadd.s32 $0xFFFFD800  }
0x11b: {  	_ =	swait.ge [sflag:s22], $0x2800  }
0x11c: {  	[sflag:s22] =	ssyncset.done $0x0  }
0x11d: {  	[sflag:s22] =	ssyncadd.s32 $0xFFFFD800  }
0x11e: {  	[bflag:$0x0] =	sbarrier.arrive $0xFFFF  }
0x11f: {  	s14 =	rddreg [dreg:$0xc]  }
0x120: {  	s23 =	rddreg [dreg:$0xd]  }
0x121: {  	s24 =	rddreg [dreg:$0x11]  }
0x122: {  	[hbm:s23], [sflag:s14] =	dma.local [spmem:s24], $0x2800  }
0x123: {  	s24 =	simm.s32 $0x9  }
0x124: {  	_ =	swait.ge [sflag:s24], $0x2800  }
0x125: {  	s25 =	rddreg [dreg:$0x10]  }
0x126: {  	s26 =	rddreg [dreg:$0xe];
	s10 =	sadd.s32 $0x1, s25  }
0x127: {  	p0 =	sne.s32 s10, s26  }
.Ltmp2:
0x128: {  	_ = 	snop;
	(pc) =	sbr.rel @p0 .LBB2_1-.Ltmp2, $4  }
0x129: {  	s13 =	simm.s32 $0x600;
	s19 =	simm.s32 $0x100;
	s1 =	simm.s32 $0x3000  }
0x12a: {  	s20 =	simm.s32 $0x200;
	s18 =	simm.s32 $0x500;
	[sflag:s24] =	ssyncset.done $0x0  }
0x12b: {  	s23 =	simm.s32 $0x480;
	[sflag:s24] =	ssyncadd.s32 $0xFFFFD800;
	s25 =	simm.s32 $0x680  }
0x12c: {  	[dreg:$0x10] =	wrdreg s10;
	s10 =	simm.s32 $0x400;
	s26 =	simm.s32 $0x700  }
0x12d: {  	_ =	sfence.sel $0x180000  }
0x12e: {  	[bflag:$0x0] =	sbarrier.arrive $0xFFFF  }
0x12f: {  	_ =	strace $0x9000004A  }
0x130: {  	s0 =	stileid.u32;
	[bflag:$0x2] =	sbarrier.arrive $0xFFFF  }
0x131: {  	p0 =	sne.s32 s0, $0x0;
	s0 =	rddreg [dreg:$0x3]  }
0x132: {  	s0 =	sadd.s32 @!p0 $0x100000, s0  }
0x133: {  	[sflag:s0] =	ssyncadd.tile.s32 @!p0 $0x1;
	_ =	shalt  }
.Lfunc_end2:
_tile_overlayer_lowered:
.L_overlay_start_2:
0x134: {  	(tag) =	ssettag $0x2  }
0x135: {  	s0 =	rddreg [dreg:$0x0];
	s2 =	stileid.u32  }
0x136: {  	s1 =	rddreg [dreg:$0x1];
	p0 =	sne.s32 s2, $0x0  }
0x137: {  	s3 =	rddreg [dreg:$0x2];
	[bflag:$0x3] =	sbarrier.arrive $0xFFFF;
	s2 =	simm.s32 @!p0 $0x1C09  }
0x138: {  	[timem:s3], [sflag:s2] =	dma.local @!p0 [hbm:s0], s1  }
0x139: {  	s0 =	simm.s32 @!p0 $0x9  }
0x13a: {  	_ =	swait.ge @!p0 [sflag:s0], s1  }
0x13b: {  	s1 =	ssub.s32 @!p0 $0x0, s1;
	[sflag:s0] =	ssyncset.done @!p0 $0x0  }
0x13c: {  	[sflag:s0] =	ssyncadd.s32 @!p0 s1  }
0x13d: {  	[bflag:$0x3] =	sbarrier.arrive $0xFFFF  }
0x13e: {  	_ =	shalt  }

</sc_bundles>
